<compile_context>
chip_gen: v7x
topology: tpu7x:2x2x1
jax: 0.10.2.dev20260603
libtpu: 0.0.44.dev20260713+nightly
codegen_flags: <defaults>
</compile_context>

<pallas_src>
import functools

import jax
import jax.numpy as jnp
from jax import lax
from jax.experimental import pallas as pl
from jax.experimental.pallas import tpu as pltpu
from jax.experimental.pallas import tpu_sc as plsc

_N = 10000
_E = 320000
_R = 16
_B = 8
_D = 128
_T = 1000
_NT = _N // _T
_NW = 32
_EPW = _E // _NW
_CH = 125
_NCH = _EPW // _CH
_STRIPE = 640
_NPAD = 16 * _STRIPE
_TRASH = _NPAD - 8


def _tf_body(nparts, use_relu, hp_ref, oh_ref, k_ref, w_ref, y_ref):
    h = hp_ref[0]
    if nparts == 2:
        h = h + hp_ref[1]
    if use_relu:
        h = jnp.maximum(h, 0.0)
    g = jnp.dot(h, k_ref[...], preferred_element_type=jnp.float32)
    acc = jnp.dot((g * oh_ref[:, 0:1]).astype(jnp.bfloat16), w_ref[0:64, :],
                  preferred_element_type=jnp.float32)
    for r in range(1, _R):
        acc = acc + jnp.dot((g * oh_ref[:, r:r + 1]).astype(jnp.bfloat16),
                            w_ref[64 * r:64 * r + 64, :],
                            preferred_element_type=jnp.float32)
    y_ref[...] = acc


def _transform(hp, onehotn, k_mat, w2d, use_relu):
    nparts = hp.shape[0]
    return pl.pallas_call(
        functools.partial(_tf_body, nparts, use_relu),
        grid=(_NT,),
        in_specs=[
            pl.BlockSpec((nparts, _T, _D), lambda i: (0, i, 0)),
            pl.BlockSpec((_T, _R), lambda i: (i, 0)),
            pl.BlockSpec((_D, 64), lambda i: (0, 0)),
            pl.BlockSpec((_B * _D, _D), lambda i: (0, 0)),
        ],
        out_specs=pl.BlockSpec((_T, _D), lambda i: (i, 0)),
        out_shape=jax.ShapeDtypeStruct((_N, _D), jnp.float32),
    )(hp, onehotn, k_mat, w2d)


def _agg_body(y_hbm, e_hbm, z_hbm, agg_out, eb, rows2, aggsh, sems):
    cid = lax.axis_index("c")
    sid = lax.axis_index("s")
    wid = cid * 16 + sid
    pltpu.sync_copy(z_hbm, aggsh.at[pl.ds(sid * _STRIPE, _STRIPE)])
    plsc.subcore_barrier()

    pltpu.sync_copy(e_hbm.at[wid, 0], eb.at[0])
    pltpu.sync_copy(y_hbm.at[eb.at[0, 0]], rows2.at[0])

    def chunk(c, carry):
        p = lax.rem(c, 2)
        pn = lax.rem(c + 1, 2)
        pltpu.async_copy(rows2.at[p], aggsh.at[eb.at[p, 1]], sems, add=True)

        @pl.when(c + 1 < _NCH)
        def _():
            pltpu.sync_copy(e_hbm.at[wid, c + 1], eb.at[pn])
            pltpu.sync_copy(y_hbm.at[eb.at[pn, 0]], rows2.at[pn])

        pltpu.make_async_copy(rows2.at[p], aggsh.at[eb.at[p, 1]], sems).wait()
        return carry

    lax.fori_loop(0, _NCH, chunk, 0)
    plsc.subcore_barrier()
    pltpu.sync_copy(aggsh.at[pl.ds(sid * _STRIPE, _STRIPE)],
                    agg_out.at[cid, pl.ds(sid * _STRIPE, _STRIPE)])


def _sc_edge_agg(y, e4, z640):
    mesh = plsc.VectorSubcoreMesh(core_axis_name="c", subcore_axis_name="s")
    kern = pl.kernel(
        _agg_body,
        out_type=jax.ShapeDtypeStruct((2, _NPAD, _D), jnp.float32),
        mesh=mesh,
        scratch_types=[
            pltpu.VMEM((2, 2, _CH), jnp.int32),
            pltpu.VMEM((2, _CH, _D), jnp.float32),
            pltpu.VMEM_SHARED((_NPAD, _D), jnp.float32),
            pltpu.SemaphoreType.DMA,
        ],
    )
    return kern(y, e4, z640)


def _cnt_body(idx_hbm, flag_hbm, zc_hbm, ones_hbm,
              cnt_out, idxb, flagb, onesb, cntsh, sem):
    cid = lax.axis_index("c")
    sid = lax.axis_index("s")
    wid = cid * 16 + sid
    pltpu.sync_copy(zc_hbm, cntsh.at[pl.ds(sid * _STRIPE, _STRIPE)])
    pltpu.sync_copy(ones_hbm, onesb)
    pltpu.sync_copy(idx_hbm.at[wid], idxb)
    pltpu.sync_copy(flag_hbm.at[wid], flagb)
    plsc.subcore_barrier()

    def chunk(c, carry):
        fv = flagb[pl.ds(c, 16)]

        @pl.when(fv[0] != 0)
        def _():
            pltpu.sync_copy(onesb, cntsh.at[idxb.at[c]], add=True)
        return carry

    lax.fori_loop(0, _NCH, chunk, 0)
    plsc.subcore_barrier()
    pltpu.sync_copy(cntsh.at[pl.ds(sid * _STRIPE, _STRIPE)],
                    cnt_out.at[cid, pl.ds(sid * _STRIPE, _STRIPE)])


def _sc_count(idx3, flags, zc640, ones80):
    mesh = plsc.VectorSubcoreMesh(core_axis_name="c", subcore_axis_name="s")
    kern = pl.kernel(
        _cnt_body,
        out_type=jax.ShapeDtypeStruct((2, _NPAD, _D), jnp.float32),
        mesh=mesh,
        scratch_types=[
            pltpu.VMEM((_NCH, _CH), jnp.int32),
            pltpu.VMEM((_NCH + 16,), jnp.int32),
            pltpu.VMEM((_CH, _D), jnp.float32),
            pltpu.VMEM_SHARED((_NPAD, _D), jnp.float32),
            pltpu.SemaphoreType.DMA,
        ],
    )
    return kern(idx3, flags, zc640, ones80)


def _final_body(agg_ref, cnt_ref, ohn_ref, k_ref, w_ref,
                aw1_ref, ab1_ref, aw2_ref, ab2_ref,
                cw1_ref, cb1_ref, cw2_ref, cb2_ref,
                probs_ref, val_ref, s_ref):
    i = pl.program_id(0)
    h2 = jnp.maximum(agg_ref[0] + agg_ref[1], 0.0)
    g2 = jnp.dot(h2, k_ref[...], preferred_element_type=jnp.float32)
    c0 = (cnt_ref[0] + cnt_ref[1])[:, 0:1]
    lhs = ohn_ref[...] * c0
    contrib = lax.dot_general(lhs, g2, (((0,), (0,)), ((), ())),
                              preferred_element_type=jnp.float32)

    @pl.when(i == 0)
    def _():
        s_ref[...] = contrib

    @pl.when(i > 0)
    def _():
        s_ref[...] = s_ref[...] + contrib

    @pl.when(i == pl.num_programs(0) - 1)
    def _():
        s = s_ref[...]
        root = jnp.dot(s[0:1, :], w_ref[0:64, :],
                       preferred_element_type=jnp.float32)
        for r in range(1, _R):
            root = root + jnp.dot(s[r:r + 1, :], w_ref[64 * r:64 * r + 64, :],
                                  preferred_element_type=jnp.float32)
        root = root - jnp.max(root)
        e = jnp.exp(root)
        p = e / jnp.sum(e)
        ha = jnp.maximum(jnp.dot(p, aw1_ref[...],
                                 preferred_element_type=jnp.float32)
                         + ab1_ref[...], 0.0)
        probs_ref[...] = jnp.dot(ha, aw2_ref[...],
                                 preferred_element_type=jnp.float32) + ab2_ref[...]
        hc = jnp.maximum(jnp.dot(p, cw1_ref[...],
                                 preferred_element_type=jnp.float32)
                         + cb1_ref[...], 0.0)
        val_ref[...] = (jnp.sum(hc * cw2_ref[...], axis=1, keepdims=True)
                        + cb2_ref[...])


def _final(agg2, cnt, onehotn, k_mat, w2d,
           aw1t, ab1, aw2t, ab2, cw1t, cb1, cw2, cb2):
    return pl.pallas_call(
        _final_body,
        grid=(_NT,),
        in_specs=[
            pl.BlockSpec((2, _T, _D), lambda i: (0, i, 0)),
            pl.BlockSpec((2, _T, _D), lambda i: (0, i, 0)),
            pl.BlockSpec((_T, _R), lambda i: (i, 0)),
            pl.BlockSpec((_D, 64), lambda i: (0, 0)),
            pl.BlockSpec((_B * _D, _D), lambda i: (0, 0)),
            pl.BlockSpec((_D, 256), lambda i: (0, 0)),
            pl.BlockSpec((1, 256), lambda i: (0, 0)),
            pl.BlockSpec((256, _D), lambda i: (0, 0)),
            pl.BlockSpec((1, _D), lambda i: (0, 0)),
            pl.BlockSpec((_D, 256), lambda i: (0, 0)),
            pl.BlockSpec((1, 256), lambda i: (0, 0)),
            pl.BlockSpec((1, 256), lambda i: (0, 0)),
            pl.BlockSpec((1, 1), lambda i: (0, 0)),
        ],
        out_specs=[pl.BlockSpec((1, _D), lambda i: (0, 0)),
                   pl.BlockSpec((1, 1), lambda i: (0, 0))],
        out_shape=[jax.ShapeDtypeStruct((1, _D), jnp.float32),
                   jax.ShapeDtypeStruct((1, 1), jnp.float32)],
        scratch_shapes=[pltpu.VMEM((_R, 64), jnp.float32)],
    )(agg2, cnt, onehotn, k_mat, w2d,
      aw1t, ab1, aw2t, ab2, cw1t, cb1, cw2, cb2)


def kernel(x, edge_index, op_class_id, norm,
           weight0, w_comp0, weight1, w_comp1, weight2, w_comp2,
           actor_w1, actor_b1, actor_w2, actor_b2,
           critic_w1, critic_b1, critic_w2, critic_b2):
    src_flat = edge_index[0].astype(jnp.int32)
    dst_flat = edge_index[1].astype(jnp.int32)
    src = src_flat.reshape(_NW, _NCH, _CH)
    dst = dst_flat.reshape(_NW, _NCH, _CH)
    e4 = jnp.stack([src, dst], axis=2)
    idx3 = jnp.where(dst_flat == 0, src_flat, _TRASH).reshape(_NW, _NCH, _CH)
    flags = jnp.any(dst.reshape(_NW, _NCH, _CH) == 0, axis=2).astype(jnp.int32)
    flags = jnp.pad(flags, ((0, 0), (0, 16)))

    eye8 = jnp.eye(_B, dtype=jnp.float32)
    k0 = jnp.kron(eye8, w_comp0)
    k1 = jnp.kron(eye8, w_comp1)
    k2 = jnp.kron(eye8, w_comp2)
    w0 = weight0.reshape(_B * _D, _D)
    w1 = weight1.reshape(_B * _D, _D)
    w2 = weight2.reshape(_B * _D, _D)

    rel = op_class_id.astype(jnp.int32)
    onehot = (rel[:, None] == jnp.arange(_R, dtype=jnp.int32)[None, :])
    onehotn = onehot.astype(jnp.float32) * norm[:, None]

    z640 = jnp.zeros((_STRIPE, _D), jnp.float32)
    ones80 = jnp.ones((_CH, _D), jnp.float32)

    cnt = _sc_count(idx3, flags, z640, ones80)
    y0 = _transform(x[None], onehotn, k0, w0.astype(jnp.bfloat16), use_relu=False)
    agg1 = _sc_edge_agg(y0, e4, z640)
    y1 = _transform(agg1, onehotn, k1, w1.astype(jnp.bfloat16), use_relu=True)
    agg2 = _sc_edge_agg(y1, e4, z640)

    probs2, val2 = _final(
        agg2, cnt, onehotn, k2, w2,
        actor_w1.T, actor_b1.reshape(1, 256), actor_w2.T,
        actor_b2.reshape(1, _D),
        critic_w1.T, critic_b1.reshape(1, 256),
        critic_w2.reshape(1, 256), critic_b2.reshape(1, 1))
    return probs2.reshape(_D), val2.reshape(1)

# --- scband reference (transcript-rebuilt; emitter-appended) ---
"""Pipeline reference for scband-goal-rgcn-23699629539372 (READ-ONLY COPY).

The authoritative reference and input builder live on the scoring server;
editing this copy changes nothing except your own understanding.
"""

import jax, jax.numpy as jnp
import numpy as np

N = 10000
E = 320000
INPUT_DIM = 128
RGCN_H = 128
LIN_H = 256
OUT_DIM = 128
NUM_RELS = 16
NUM_BASES = 8
W_GAIN = 10.0


def _xavier(key, shape, gain):
    fan_in = shape[-2] if len(shape) >= 2 else shape[-1]
    fan_out = shape[-1]
    limit = gain * float(np.sqrt(6.0 / (fan_in + fan_out)))
    return jax.random.uniform(key, shape, jnp.float32, -limit, limit)


def setup_inputs(seed: int = 0):
    key = jax.random.key(seed)
    ks = jax.random.split(key, 24)
    x = jax.random.normal(ks[0], (N, INPUT_DIM), jnp.float32)
    edge_index = jax.random.randint(ks[1], (2, E), 0, N)
    op_class_id = jax.random.randint(ks[2], (N,), 0, NUM_RELS)
    norm = jax.random.uniform(ks[3], (N,), jnp.float32)
    weight0 = _xavier(ks[4], (NUM_BASES, INPUT_DIM, RGCN_H), W_GAIN)
    w_comp0 = _xavier(ks[5], (NUM_RELS, NUM_BASES), W_GAIN)
    weight1 = _xavier(ks[6], (NUM_BASES, RGCN_H, RGCN_H), W_GAIN)
    w_comp1 = _xavier(ks[7], (NUM_RELS, NUM_BASES), W_GAIN)
    weight2 = _xavier(ks[8], (NUM_BASES, RGCN_H, OUT_DIM), W_GAIN)
    w_comp2 = _xavier(ks[9], (NUM_RELS, NUM_BASES), W_GAIN)
    actor_w1 = _xavier(ks[10], (LIN_H, RGCN_H), 1.0)
    actor_b1 = jnp.zeros((LIN_H,), jnp.float32)
    actor_w2 = _xavier(ks[11], (OUT_DIM, LIN_H), 1.0)
    actor_b2 = jnp.zeros((OUT_DIM,), jnp.float32)
    critic_w1 = _xavier(ks[12], (LIN_H, RGCN_H), 1.0)
    critic_b1 = jnp.zeros((LIN_H,), jnp.float32)
    critic_w2 = _xavier(ks[13], (1, LIN_H), 1.0)
    critic_b2 = jnp.zeros((1,), jnp.float32)
    return {"x": x, "edge_index": edge_index, "op_class_id": op_class_id, "norm": norm,
            "weight0": weight0, "w_comp0": w_comp0, "weight1": weight1, "w_comp1": w_comp1,
            "weight2": weight2, "w_comp2": w_comp2,
            "actor_w1": actor_w1, "actor_b1": actor_b1, "actor_w2": actor_w2, "actor_b2": actor_b2,
            "critic_w1": critic_w1, "critic_b1": critic_b1, "critic_w2": critic_w2, "critic_b2": critic_b2}


def _compose(weight, w_comp, in_feat, out_feat):
    # faithful to: weight.view(in_feat, num_bases, out_feat); matmul(w_comp, weight).view(num_rels, in_feat, out_feat)
    w = weight.reshape(in_feat, NUM_BASES, out_feat)
    w = jnp.matmul(w_comp, w)  # [in_feat, NUM_RELS, out_feat]
    return w.reshape(NUM_RELS, in_feat, out_feat)


def _rgcn_layer(h, weight, w_comp, op_class_id, src, dst, norm, activation):
    in_feat = h.shape[1]
    out_feat = weight.shape[2]
    w = _compose(weight, w_comp, in_feat, out_feat)
    # per-node relation-specific transform (equivalent to per-edge bmm with weight[op_class_id[src]])
    transformed = jnp.einsum('ni,rio->rno', h, w)  # [R, N, out]
    h_node = transformed[op_class_id, jnp.arange(h.shape[0])]  # [N, out]
    msg = h_node[src] * norm[src][:, None]
    agg = jax.ops.segment_sum(msg, dst, num_segments=h.shape[0])
    return activation(agg)


def reference(x, edge_index, op_class_id, norm, weight0, w_comp0, weight1, w_comp1,
              weight2, w_comp2, actor_w1, actor_b1, actor_w2, actor_b2,
              critic_w1, critic_b1, critic_w2, critic_b2):
    src = edge_index[0]
    dst = edge_index[1]
    h = _rgcn_layer(x, weight0, w_comp0, op_class_id, src, dst, norm, jax.nn.relu)
    h = _rgcn_layer(h, weight1, w_comp1, op_class_id, src, dst, norm, jax.nn.relu)
    h = _rgcn_layer(h, weight2, w_comp2, op_class_id, src, dst, norm, lambda t: jax.nn.softmax(t, axis=1))
    root = h[0]
    hid_a = jax.nn.relu(root @ actor_w1.T + actor_b1)
    probs = hid_a @ actor_w2.T + actor_b2  # Categorical params in the original
    hid_c = jax.nn.relu(root @ critic_w1.T + critic_b1)
    value = hid_c @ critic_w2.T + critic_b2
    return (probs, value)

if __name__ == "__main__":
    import jax
    _d = setup_inputs()
    print(jax.jit(kernel)(*tuple(_d.values())))

</pallas_src>

<mosaic_0001>
#map = affine_map<(d0, d1) -> (0, 0)>
#map1 = affine_map<(d0, d1) -> (0, 0, 0, 0)>
#map2 = affine_map<(d0, d1) -> (0, 0, 0)>
module attributes {stable_mosaic.version = 14 : i64} {
  func.func @_agg_body(%arg0: i32, %arg1: i32, %arg2: memref<10000x128xf32, #tpu.memory_space<hbm>>, %arg3: memref<32x80x2x125xi32, #tpu.memory_space<hbm>>, %arg4: memref<640x128xf32, #tpu.memory_space<hbm>>, %arg5: memref<2x10240x128xf32, #tpu.memory_space<hbm>>, %arg6: memref<2x2x125xi32, #tpu.memory_space<vmem>>, %arg7: memref<2x125x128xf32, #tpu.memory_space<vmem>>, %arg8: memref<10240x128xf32, #tpu.memory_space<vmem_shared>>, %arg9: memref<!tpu.dma_semaphore, #tpu.memory_space<semaphore_mem>>) attributes {dimension_semantics = [#tpu.dimension_semantics<core_parallel>, #tpu.dimension_semantics<subcore_parallel>], iteration_bounds = array<i64: 2, 16>, scalar_prefetch = 0 : i64, scratch_operands = 4 : i64, tpu.core_type = #tpu.core_type<sc_vector_subcore>, window_params = [{transform_indices = #map}, {transform_indices = #map1}, {transform_indices = #map}, {transform_indices = #map2}]} {
    %mul3A = arith.constant 16 : i32
    %mul3A_0 = arith.muli %arg0, %mul3A : i32
    %add3A = arith.addi %mul3A_0, %arg1 : i32
    %mul3A_1 = arith.constant 640 : i32
    %mul3A_2 = arith.muli %arg1, %mul3A_1 : i32
    "tpu.region"() ({
      %run_scoped3A_17 = tpu.sem_alloc : memref<!tpu.dma_semaphore, #tpu.memory_space<semaphore_mem>>
      %dma_start3A = arith.constant 0 : i32
      %dma_start3A_18 = tpu.memref_slice %arg8[%mul3A_2, %dma_start3A] : memref<10240x128xf32, #tpu.memory_space<vmem_shared>> -> memref<640x128xf32, #tpu.memory_space<vmem_shared>>
      tpu.enqueue_dma source(%arg4 : memref<640x128xf32, #tpu.memory_space<hbm>>) target(%dma_start3A_18 : memref<640x128xf32, #tpu.memory_space<vmem_shared>>) target_semaphore(%run_scoped3A_17 : memref<!tpu.dma_semaphore, #tpu.memory_space<semaphore_mem>>)
      %dma_wait3A = arith.constant 0 : i32
      %dma_wait3A_19 = tpu.memref_slice %arg8[%mul3A_2, %dma_wait3A] : memref<10240x128xf32, #tpu.memory_space<vmem_shared>> -> memref<640x128xf32, #tpu.memory_space<vmem_shared>>
      tpu.wait_dma2 semaphore(%run_scoped3A_17 : memref<!tpu.dma_semaphore, #tpu.memory_space<semaphore_mem>>) src(%arg4 : memref<640x128xf32, #tpu.memory_space<hbm>>) dst(%dma_wait3A_19 : memref<640x128xf32, #tpu.memory_space<vmem_shared>>)
      tpu.yield
    }) : () -> ()
    %barrier3A = arith.constant 0 : index
    tpu.barrier barrier_id(%barrier3A)
    %run_scoped3A = arith.constant 0 : i32
    %run_scoped3A_3 = arith.constant 0 : i32
    "tpu.region"() ({
      %run_scoped3A_17 = tpu.sem_alloc : memref<!tpu.dma_semaphore, #tpu.memory_space<semaphore_mem>>
      %dma_start3A = arith.constant 0 : i32
      %dma_start3A_18 = arith.constant 0 : i32
      %dma_start3A_19 = tpu.memref_slice %arg6[%run_scoped3A_3, %dma_start3A, %dma_start3A_18] : memref<2x2x125xi32, #tpu.memory_space<vmem>> -> memref<1x2x125xi32, #tpu.memory_space<vmem>>
      %dma_start3A_20 = tpu.memref_squeeze %dma_start3A_19 : memref<1x2x125xi32, #tpu.memory_space<vmem>> -> memref<2x125xi32, #tpu.memory_space<vmem>>
      %dma_start3A_21 = arith.constant 0 : i32
      %dma_start3A_22 = arith.constant 0 : i32
      %dma_start3A_23 = tpu.memref_slice %arg3[%add3A, %run_scoped3A, %dma_start3A_21, %dma_start3A_22] : memref<32x80x2x125xi32, #tpu.memory_space<hbm>> -> memref<1x1x2x125xi32, #tpu.memory_space<hbm>>
      %dma_start3A_24 = tpu.memref_squeeze %dma_start3A_23 : memref<1x1x2x125xi32, #tpu.memory_space<hbm>> -> memref<2x125xi32, #tpu.memory_space<hbm>>
      %dma_start3A_25 = arith.constant 0 : i32
      %dma_start3A_26 = arith.constant 0 : i32
      %dma_start3A_27 = tpu.memref_slice %arg6[%run_scoped3A_3, %dma_start3A_25, %dma_start3A_26] : memref<2x2x125xi32, #tpu.memory_space<vmem>> -> memref<1x2x125xi32, #tpu.memory_space<vmem>>
      %dma_start3A_28 = tpu.memref_squeeze %dma_start3A_27 : memref<1x2x125xi32, #tpu.memory_space<vmem>> -> memref<2x125xi32, #tpu.memory_space<vmem>>
      %dma_start3A_29 = arith.constant 0 : i32
      %dma_start3A_30 = arith.constant 0 : i32
      %dma_start3A_31 = tpu.memref_slice %arg3[%add3A, %run_scoped3A, %dma_start3A_29, %dma_start3A_30] : memref<32x80x2x125xi32, #tpu.memory_space<hbm>> -> memref<1x1x2x125xi32, #tpu.memory_space<hbm>>
      %dma_start3A_32 = tpu.memref_squeeze %dma_start3A_31 : memref<1x1x2x125xi32, #tpu.memory_space<hbm>> -> memref<2x125xi32, #tpu.memory_space<hbm>>
      tpu.enqueue_dma source(%dma_start3A_32 : memref<2x125xi32, #tpu.memory_space<hbm>>) target(%dma_start3A_28 : memref<2x125xi32, #tpu.memory_space<vmem>>) target_semaphore(%run_scoped3A_17 : memref<!tpu.dma_semaphore, #tpu.memory_space<semaphore_mem>>)
      %dma_wait3A = arith.constant 0 : i32
      %dma_wait3A_33 = arith.constant 0 : i32
      %dma_wait3A_34 = tpu.memref_slice %arg6[%run_scoped3A_3, %dma_wait3A, %dma_wait3A_33] : memref<2x2x125xi32, #tpu.memory_space<vmem>> -> memref<1x2x125xi32, #tpu.memory_space<vmem>>
      %dma_wait3A_35 = tpu.memref_squeeze %dma_wait3A_34 : memref<1x2x125xi32, #tpu.memory_space<vmem>> -> memref<2x125xi32, #tpu.memory_space<vmem>>
      %dma_wait3A_36 = arith.constant 0 : i32
      %dma_wait3A_37 = arith.constant 0 : i32
      %dma_wait3A_38 = tpu.memref_slice %arg3[%add3A, %run_scoped3A, %dma_wait3A_36, %dma_wait3A_37] : memref<32x80x2x125xi32, #tpu.memory_space<hbm>> -> memref<1x1x2x125xi32, #tpu.memory_space<hbm>>
      %dma_wait3A_39 = tpu.memref_squeeze %dma_wait3A_38 : memref<1x1x2x125xi32, #tpu.memory_space<hbm>> -> memref<2x125xi32, #tpu.memory_space<hbm>>
      %dma_wait3A_40 = arith.constant 0 : i32
      %dma_wait3A_41 = arith.constant 0 : i32
      %dma_wait3A_42 = tpu.memref_slice %arg6[%run_scoped3A_3, %dma_wait3A_40, %dma_wait3A_41] : memref<2x2x125xi32, #tpu.memory_space<vmem>> -> memref<1x2x125xi32, #tpu.memory_space<vmem>>
      %dma_wait3A_43 = tpu.memref_squeeze %dma_wait3A_42 : memref<1x2x125xi32, #tpu.memory_space<vmem>> -> memref<2x125xi32, #tpu.memory_space<vmem>>
      %dma_wait3A_44 = arith.constant 0 : i32
      %dma_wait3A_45 = arith.constant 0 : i32
      %dma_wait3A_46 = tpu.memref_slice %arg3[%add3A, %run_scoped3A, %dma_wait3A_44, %dma_wait3A_45] : memref<32x80x2x125xi32, #tpu.memory_space<hbm>> -> memref<1x1x2x125xi32, #tpu.memory_space<hbm>>
      %dma_wait3A_47 = tpu.memref_squeeze %dma_wait3A_46 : memref<1x1x2x125xi32, #tpu.memory_space<hbm>> -> memref<2x125xi32, #tpu.memory_space<hbm>>
      tpu.wait_dma2 semaphore(%run_scoped3A_17 : memref<!tpu.dma_semaphore, #tpu.memory_space<semaphore_mem>>) src(%dma_wait3A_47 : memref<2x125xi32, #tpu.memory_space<hbm>>) dst(%dma_wait3A_43 : memref<2x125xi32, #tpu.memory_space<vmem>>)
      tpu.yield
    }) : () -> ()
    %run_scoped3A_4 = arith.constant 0 : i32
    %run_scoped3A_5 = arith.constant 0 : i32
    %run_scoped3A_6 = arith.constant 0 : i32
    "tpu.region"() ({
      %run_scoped3A_17 = tpu.sem_alloc : memref<!tpu.dma_semaphore, #tpu.memory_space<semaphore_mem>>
      %dma_start3A = arith.constant 0 : i32
      %dma_start3A_18 = arith.constant 0 : i32
      %dma_start3A_19 = tpu.memref_slice %arg7[%run_scoped3A_6, %dma_start3A, %dma_start3A_18] : memref<2x125x128xf32, #tpu.memory_space<vmem>> -> memref<1x125x128xf32, #tpu.memory_space<vmem>>
      %dma_start3A_20 = tpu.memref_squeeze %dma_start3A_19 : memref<1x125x128xf32, #tpu.memory_space<vmem>> -> memref<125x128xf32, #tpu.memory_space<vmem>>
      %dma_start3A_21 = arith.constant 0 : i32
      %dma_start3A_22 = tpu.memref_slice %arg6[%run_scoped3A_4, %run_scoped3A_5, %dma_start3A_21] : memref<2x2x125xi32, #tpu.memory_space<vmem>> -> memref<1x1x125xi32, #tpu.memory_space<vmem>>
      %dma_start3A_23 = tpu.memref_squeeze %dma_start3A_22 : memref<1x1x125xi32, #tpu.memory_space<vmem>> -> memref<125xi32, #tpu.memory_space<vmem>>
      %dma_start3A_24 = arith.constant 0 : i32
      %dma_start3A_25 = arith.constant 0 : i32
      %dma_start3A_26 = tpu.memref_slice %arg2[%dma_start3A_24, %dma_start3A_25] : memref<10000x128xf32, #tpu.memory_space<hbm>> -> memref<10000x128xf32, #tpu.memory_space<hbm>>
      tpu.enqueue_indirect_dma source(%dma_start3A_26 : memref<10000x128xf32, #tpu.memory_space<hbm>>) target(%dma_start3A_20 : memref<125x128xf32, #tpu.memory_space<vmem>>) offsets(%dma_start3A_23 : memref<125xi32, #tpu.memory_space<vmem>>) semaphore(%run_scoped3A_17 : memref<!tpu.dma_semaphore, #tpu.memory_space<semaphore_mem>>)
      %dma_wait3A = arith.constant 0 : i32
      %dma_wait3A_27 = arith.constant 0 : i32
      %dma_wait3A_28 = tpu.memref_slice %arg7[%run_scoped3A_6, %dma_wait3A, %dma_wait3A_27] : memref<2x125x128xf32, #tpu.memory_space<vmem>> -> memref<1x125x128xf32, #tpu.memory_space<vmem>>
      %dma_wait3A_29 = tpu.memref_squeeze %dma_wait3A_28 : memref<1x125x128xf32, #tpu.memory_space<vmem>> -> memref<125x128xf32, #tpu.memory_space<vmem>>
      %dma_wait3A_30 = arith.constant 0 : i32
      %dma_wait3A_31 = tpu.memref_slice %arg6[%run_scoped3A_4, %run_scoped3A_5, %dma_wait3A_30] : memref<2x2x125xi32, #tpu.memory_space<vmem>> -> memref<1x1x125xi32, #tpu.memory_space<vmem>>
      %dma_wait3A_32 = tpu.memref_squeeze %dma_wait3A_31 : memref<1x1x125xi32, #tpu.memory_space<vmem>> -> memref<125xi32, #tpu.memory_space<vmem>>
      %dma_wait3A_33 = arith.constant 0 : i32
      %dma_wait3A_34 = arith.constant 0 : i32
      %dma_wait3A_35 = tpu.memref_slice %arg2[%dma_wait3A_33, %dma_wait3A_34] : memref<10000x128xf32, #tpu.memory_space<hbm>> -> memref<10000x128xf32, #tpu.memory_space<hbm>>
      tpu.wait_indirect_dma semaphore(%run_scoped3A_17 : memref<!tpu.dma_semaphore, #tpu.memory_space<semaphore_mem>>) src(%dma_wait3A_35 : memref<10000x128xf32, #tpu.memory_space<hbm>>) dst(%dma_wait3A_29 : memref<125x128xf32, #tpu.memory_space<vmem>>)
      tpu.yield
    }) : () -> ()
    %scan3A = arith.constant 0 : i32
    %scan3A_7 = arith.constant 0 : i32
    %scan3A_8 = arith.constant 80 : i32
    %scan3A_9 = arith.addi %scan3A_7, %scan3A_8 : i32
    %scan3A_10 = arith.constant 1 : i32
    scf.for %scan3A_17 = %scan3A_7 to %scan3A_9 step %scan3A_10  : i32 {
      %rem3A = arith.constant 2 : i32
      %rem3A_18 = arith.remsi %scan3A_17, %rem3A : i32
      %add3A_19 = arith.constant 1 : i32
      %add3A_20 = arith.addi %scan3A_17, %add3A_19 : i32
      %rem3A_21 = arith.constant 2 : i32
      %rem3A_22 = arith.remsi %add3A_20, %rem3A_21 : i32
      %dma_start3A = arith.constant 1 : i32
      %dma_start3A_23 = arith.constant 0 : i32
      %dma_start3A_24 = arith.constant 0 : i32
      %dma_start3A_25 = tpu.memref_slice %arg7[%rem3A_18, %dma_start3A_23, %dma_start3A_24] : memref<2x125x128xf32, #tpu.memory_space<vmem>> -> memref<1x125x128xf32, #tpu.memory_space<vmem>>
      %dma_start3A_26 = tpu.memref_squeeze %dma_start3A_25 : memref<1x125x128xf32, #tpu.memory_space<vmem>> -> memref<125x128xf32, #tpu.memory_space<vmem>>
      %dma_start3A_27 = arith.constant 0 : i32
      %dma_start3A_28 = tpu.memref_slice %arg6[%rem3A_18, %dma_start3A, %dma_start3A_27] : memref<2x2x125xi32, #tpu.memory_space<vmem>> -> memref<1x1x125xi32, #tpu.memory_space<vmem>>
      %dma_start3A_29 = tpu.memref_squeeze %dma_start3A_28 : memref<1x1x125xi32, #tpu.memory_space<vmem>> -> memref<125xi32, #tpu.memory_space<vmem>>
      %dma_start3A_30 = arith.constant 0 : i32
      %dma_start3A_31 = arith.constant 0 : i32
      %dma_start3A_32 = tpu.memref_slice %arg8[%dma_start3A_30, %dma_start3A_31] : memref<10240x128xf32, #tpu.memory_space<vmem_shared>> -> memref<10240x128xf32, #tpu.memory_space<vmem_shared>>
      tpu.enqueue_indirect_dma source(%dma_start3A_26 : memref<125x128xf32, #tpu.memory_space<vmem>>) target(%dma_start3A_32 : memref<10240x128xf32, #tpu.memory_space<vmem_shared>>) offsets(%dma_start3A_29 : memref<125xi32, #tpu.memory_space<vmem>>) semaphore(%arg9 : memref<!tpu.dma_semaphore, #tpu.memory_space<semaphore_mem>>) {add = true}
      %add3A_33 = arith.constant 1 : i32
      %add3A_34 = arith.addi %scan3A_17, %add3A_33 : i32
      %lt3A = arith.constant 80 : i32
      %lt3A_35 = arith.cmpi slt, %add3A_34, %lt3A : i32
      %convert_element_type3A = arith.extui %lt3A_35 : i1 to i32
      %cond3A = arith.constant 0 : i32
      %cond3A_36 = arith.cmpi ne, %convert_element_type3A, %cond3A : i32
      scf.if %cond3A_36 {
        %add3A_47 = arith.constant 1 : i32
        %add3A_48 = arith.addi %scan3A_17, %add3A_47 : i32
        "tpu.region"() ({
          %run_scoped3A_50 = tpu.sem_alloc : memref<!tpu.dma_semaphore, #tpu.memory_space<semaphore_mem>>
          %dma_start3A_51 = arith.constant 0 : i32
          %dma_start3A_52 = arith.constant 0 : i32
          %dma_start3A_53 = tpu.memref_slice %arg6[%rem3A_22, %dma_start3A_51, %dma_start3A_52] : memref<2x2x125xi32, #tpu.memory_space<vmem>> -> memref<1x2x125xi32, #tpu.memory_space<vmem>>
          %dma_start3A_54 = tpu.memref_squeeze %dma_start3A_53 : memref<1x2x125xi32, #tpu.memory_space<vmem>> -> memref<2x125xi32, #tpu.memory_space<vmem>>
          %dma_start3A_55 = arith.constant 0 : i32
          %dma_start3A_56 = arith.constant 0 : i32
          %dma_start3A_57 = tpu.memref_slice %arg3[%add3A, %add3A_48, %dma_start3A_55, %dma_start3A_56] : memref<32x80x2x125xi32, #tpu.memory_space<hbm>> -> memref<1x1x2x125xi32, #tpu.memory_space<hbm>>
          %dma_start3A_58 = tpu.memref_squeeze %dma_start3A_57 : memref<1x1x2x125xi32, #tpu.memory_space<hbm>> -> memref<2x125xi32, #tpu.memory_space<hbm>>
          %dma_start3A_59 = arith.constant 0 : i32
          %dma_start3A_60 = arith.constant 0 : i32
          %dma_start3A_61 = tpu.memref_slice %arg6[%rem3A_22, %dma_start3A_59, %dma_start3A_60] : memref<2x2x125xi32, #tpu.memory_space<vmem>> -> memref<1x2x125xi32, #tpu.memory_space<vmem>>
          %dma_start3A_62 = tpu.memref_squeeze %dma_start3A_61 : memref<1x2x125xi32, #tpu.memory_space<vmem>> -> memref<2x125xi32, #tpu.memory_space<vmem>>
          %dma_start3A_63 = arith.constant 0 : i32
          %dma_start3A_64 = arith.constant 0 : i32
          %dma_start3A_65 = tpu.memref_slice %arg3[%add3A, %add3A_48, %dma_start3A_63, %dma_start3A_64] : memref<32x80x2x125xi32, #tpu.memory_space<hbm>> -> memref<1x1x2x125xi32, #tpu.memory_space<hbm>>
          %dma_start3A_66 = tpu.memref_squeeze %dma_start3A_65 : memref<1x1x2x125xi32, #tpu.memory_space<hbm>> -> memref<2x125xi32, #tpu.memory_space<hbm>>
          tpu.enqueue_dma source(%dma_start3A_66 : memref<2x125xi32, #tpu.memory_space<hbm>>) target(%dma_start3A_62 : memref<2x125xi32, #tpu.memory_space<vmem>>) target_semaphore(%run_scoped3A_50 : memref<!tpu.dma_semaphore, #tpu.memory_space<semaphore_mem>>)
          %dma_wait3A_67 = arith.constant 0 : i32
          %dma_wait3A_68 = arith.constant 0 : i32
          %dma_wait3A_69 = tpu.memref_slice %arg6[%rem3A_22, %dma_wait3A_67, %dma_wait3A_68] : memref<2x2x125xi32, #tpu.memory_space<vmem>> -> memref<1x2x125xi32, #tpu.memory_space<vmem>>
          %dma_wait3A_70 = tpu.memref_squeeze %dma_wait3A_69 : memref<1x2x125xi32, #tpu.memory_space<vmem>> -> memref<2x125xi32, #tpu.memory_space<vmem>>
          %dma_wait3A_71 = arith.constant 0 : i32
          %dma_wait3A_72 = arith.constant 0 : i32
          %dma_wait3A_73 = tpu.memref_slice %arg3[%add3A, %add3A_48, %dma_wait3A_71, %dma_wait3A_72] : memref<32x80x2x125xi32, #tpu.memory_space<hbm>> -> memref<1x1x2x125xi32, #tpu.memory_space<hbm>>
          %dma_wait3A_74 = tpu.memref_squeeze %dma_wait3A_73 : memref<1x1x2x125xi32, #tpu.memory_space<hbm>> -> memref<2x125xi32, #tpu.memory_space<hbm>>
          %dma_wait3A_75 = arith.constant 0 : i32
          %dma_wait3A_76 = arith.constant 0 : i32
          %dma_wait3A_77 = tpu.memref_slice %arg6[%rem3A_22, %dma_wait3A_75, %dma_wait3A_76] : memref<2x2x125xi32, #tpu.memory_space<vmem>> -> memref<1x2x125xi32, #tpu.memory_space<vmem>>
          %dma_wait3A_78 = tpu.memref_squeeze %dma_wait3A_77 : memref<1x2x125xi32, #tpu.memory_space<vmem>> -> memref<2x125xi32, #tpu.memory_space<vmem>>
          %dma_wait3A_79 = arith.constant 0 : i32
          %dma_wait3A_80 = arith.constant 0 : i32
          %dma_wait3A_81 = tpu.memref_slice %arg3[%add3A, %add3A_48, %dma_wait3A_79, %dma_wait3A_80] : memref<32x80x2x125xi32, #tpu.memory_space<hbm>> -> memref<1x1x2x125xi32, #tpu.memory_space<hbm>>
          %dma_wait3A_82 = tpu.memref_squeeze %dma_wait3A_81 : memref<1x1x2x125xi32, #tpu.memory_space<hbm>> -> memref<2x125xi32, #tpu.memory_space<hbm>>
          tpu.wait_dma2 semaphore(%run_scoped3A_50 : memref<!tpu.dma_semaphore, #tpu.memory_space<semaphore_mem>>) src(%dma_wait3A_82 : memref<2x125xi32, #tpu.memory_space<hbm>>) dst(%dma_wait3A_78 : memref<2x125xi32, #tpu.memory_space<vmem>>)
          tpu.yield
        }) : () -> ()
        %run_scoped3A_49 = arith.constant 0 : i32
        "tpu.region"() ({
          %run_scoped3A_50 = tpu.sem_alloc : memref<!tpu.dma_semaphore, #tpu.memory_space<semaphore_mem>>
          %dma_start3A_51 = arith.constant 0 : i32
          %dma_start3A_52 = arith.constant 0 : i32
          %dma_start3A_53 = tpu.memref_slice %arg7[%rem3A_22, %dma_start3A_51, %dma_start3A_52] : memref<2x125x128xf32, #tpu.memory_space<vmem>> -> memref<1x125x128xf32, #tpu.memory_space<vmem>>
          %dma_start3A_54 = tpu.memref_squeeze %dma_start3A_53 : memref<1x125x128xf32, #tpu.memory_space<vmem>> -> memref<125x128xf32, #tpu.memory_space<vmem>>
          %dma_start3A_55 = arith.constant 0 : i32
          %dma_start3A_56 = tpu.memref_slice %arg6[%rem3A_22, %run_scoped3A_49, %dma_start3A_55] : memref<2x2x125xi32, #tpu.memory_space<vmem>> -> memref<1x1x125xi32, #tpu.memory_space<vmem>>
          %dma_start3A_57 = tpu.memref_squeeze %dma_start3A_56 : memref<1x1x125xi32, #tpu.memory_space<vmem>> -> memref<125xi32, #tpu.memory_space<vmem>>
          %dma_start3A_58 = arith.constant 0 : i32
          %dma_start3A_59 = arith.constant 0 : i32
          %dma_start3A_60 = tpu.memref_slice %arg2[%dma_start3A_58, %dma_start3A_59] : memref<10000x128xf32, #tpu.memory_space<hbm>> -> memref<10000x128xf32, #tpu.memory_space<hbm>>
          tpu.enqueue_indirect_dma source(%dma_start3A_60 : memref<10000x128xf32, #tpu.memory_space<hbm>>) target(%dma_start3A_54 : memref<125x128xf32, #tpu.memory_space<vmem>>) offsets(%dma_start3A_57 : memref<125xi32, #tpu.memory_space<vmem>>) semaphore(%run_scoped3A_50 : memref<!tpu.dma_semaphore, #tpu.memory_space<semaphore_mem>>)
          %dma_wait3A_61 = arith.constant 0 : i32
          %dma_wait3A_62 = arith.constant 0 : i32
          %dma_wait3A_63 = tpu.memref_slice %arg7[%rem3A_22, %dma_wait3A_61, %dma_wait3A_62] : memref<2x125x128xf32, #tpu.memory_space<vmem>> -> memref<1x125x128xf32, #tpu.memory_space<vmem>>
          %dma_wait3A_64 = tpu.memref_squeeze %dma_wait3A_63 : memref<1x125x128xf32, #tpu.memory_space<vmem>> -> memref<125x128xf32, #tpu.memory_space<vmem>>
          %dma_wait3A_65 = arith.constant 0 : i32
          %dma_wait3A_66 = tpu.memref_slice %arg6[%rem3A_22, %run_scoped3A_49, %dma_wait3A_65] : memref<2x2x125xi32, #tpu.memory_space<vmem>> -> memref<1x1x125xi32, #tpu.memory_space<vmem>>
          %dma_wait3A_67 = tpu.memref_squeeze %dma_wait3A_66 : memref<1x1x125xi32, #tpu.memory_space<vmem>> -> memref<125xi32, #tpu.memory_space<vmem>>
          %dma_wait3A_68 = arith.constant 0 : i32
          %dma_wait3A_69 = arith.constant 0 : i32
          %dma_wait3A_70 = tpu.memref_slice %arg2[%dma_wait3A_68, %dma_wait3A_69] : memref<10000x128xf32, #tpu.memory_space<hbm>> -> memref<10000x128xf32, #tpu.memory_space<hbm>>
          tpu.wait_indirect_dma semaphore(%run_scoped3A_50 : memref<!tpu.dma_semaphore, #tpu.memory_space<semaphore_mem>>) src(%dma_wait3A_70 : memref<10000x128xf32, #tpu.memory_space<hbm>>) dst(%dma_wait3A_64 : memref<125x128xf32, #tpu.memory_space<vmem>>)
          tpu.yield
        }) : () -> ()
      } else {
      }
      %dma_wait3A = arith.constant 1 : i32
      %dma_wait3A_37 = arith.constant 0 : i32
      %dma_wait3A_38 = arith.constant 0 : i32
      %dma_wait3A_39 = tpu.memref_slice %arg7[%rem3A_18, %dma_wait3A_37, %dma_wait3A_38] : memref<2x125x128xf32, #tpu.memory_space<vmem>> -> memref<1x125x128xf32, #tpu.memory_space<vmem>>
      %dma_wait3A_40 = tpu.memref_squeeze %dma_wait3A_39 : memref<1x125x128xf32, #tpu.memory_space<vmem>> -> memref<125x128xf32, #tpu.memory_space<vmem>>
      %dma_wait3A_41 = arith.constant 0 : i32
      %dma_wait3A_42 = tpu.memref_slice %arg6[%rem3A_18, %dma_wait3A, %dma_wait3A_41] : memref<2x2x125xi32, #tpu.memory_space<vmem>> -> memref<1x1x125xi32, #tpu.memory_space<vmem>>
      %dma_wait3A_43 = tpu.memref_squeeze %dma_wait3A_42 : memref<1x1x125xi32, #tpu.memory_space<vmem>> -> memref<125xi32, #tpu.memory_space<vmem>>
      %dma_wait3A_44 = arith.constant 0 : i32
      %dma_wait3A_45 = arith.constant 0 : i32
      %dma_wait3A_46 = tpu.memref_slice %arg8[%dma_wait3A_44, %dma_wait3A_45] : memref<10240x128xf32, #tpu.memory_space<vmem_shared>> -> memref<10240x128xf32, #tpu.memory_space<vmem_shared>>
      tpu.wait_indirect_dma semaphore(%arg9 : memref<!tpu.dma_semaphore, #tpu.memory_space<semaphore_mem>>) src(%dma_wait3A_40 : memref<125x128xf32, #tpu.memory_space<vmem>>) dst(%dma_wait3A_46 : memref<10240x128xf32, #tpu.memory_space<vmem_shared>>)
    }
    %scan3A_11 = arith.constant 80 : i32
    %barrier3A_12 = arith.constant 0 : index
    tpu.barrier barrier_id(%barrier3A_12)
    %mul3A_13 = arith.constant 640 : i32
    %mul3A_14 = arith.muli %arg1, %mul3A_13 : i32
    %mul3A_15 = arith.constant 640 : i32
    %mul3A_16 = arith.muli %arg1, %mul3A_15 : i32
    "tpu.region"() ({
      %run_scoped3A_17 = tpu.sem_alloc : memref<!tpu.dma_semaphore, #tpu.memory_space<semaphore_mem>>
      %dma_start3A = arith.constant 0 : i32
      %dma_start3A_18 = tpu.memref_slice %arg5[%arg0, %mul3A_16, %dma_start3A] : memref<2x10240x128xf32, #tpu.memory_space<hbm>> -> memref<1x640x128xf32, #tpu.memory_space<hbm>>
      %dma_start3A_19 = tpu.memref_squeeze %dma_start3A_18 : memref<1x640x128xf32, #tpu.memory_space<hbm>> -> memref<640x128xf32, #tpu.memory_space<hbm>>
      %dma_start3A_20 = arith.constant 0 : i32
      %dma_start3A_21 = tpu.memref_slice %arg8[%mul3A_14, %dma_start3A_20] : memref<10240x128xf32, #tpu.memory_space<vmem_shared>> -> memref<640x128xf32, #tpu.memory_space<vmem_shared>>
      tpu.enqueue_dma source(%dma_start3A_21 : memref<640x128xf32, #tpu.memory_space<vmem_shared>>) target(%dma_start3A_19 : memref<640x128xf32, #tpu.memory_space<hbm>>) target_semaphore(%run_scoped3A_17 : memref<!tpu.dma_semaphore, #tpu.memory_space<semaphore_mem>>)
      %dma_wait3A = arith.constant 0 : i32
      %dma_wait3A_22 = tpu.memref_slice %arg5[%arg0, %mul3A_16, %dma_wait3A] : memref<2x10240x128xf32, #tpu.memory_space<hbm>> -> memref<1x640x128xf32, #tpu.memory_space<hbm>>
      %dma_wait3A_23 = tpu.memref_squeeze %dma_wait3A_22 : memref<1x640x128xf32, #tpu.memory_space<hbm>> -> memref<640x128xf32, #tpu.memory_space<hbm>>
      %dma_wait3A_24 = arith.constant 0 : i32
      %dma_wait3A_25 = tpu.memref_slice %arg8[%mul3A_14, %dma_wait3A_24] : memref<10240x128xf32, #tpu.memory_space<vmem_shared>> -> memref<640x128xf32, #tpu.memory_space<vmem_shared>>
      tpu.wait_dma2 semaphore(%run_scoped3A_17 : memref<!tpu.dma_semaphore, #tpu.memory_space<semaphore_mem>>) src(%dma_wait3A_25 : memref<640x128xf32, #tpu.memory_space<vmem_shared>>) dst(%dma_wait3A_23 : memref<640x128xf32, #tpu.memory_space<hbm>>)
      tpu.yield
    }) : () -> ()
    return
  }
}

#map = affine_map<(d0, d1) -> (0, 0)>
#map1 = affine_map<(d0, d1) -> (0, 0, 0, 0)>
#map2 = affine_map<(d0, d1) -> (0, 0, 0)>
module attributes {stable_mosaic.version = 14 : i64} {
  func.func @_agg_body(%arg0: i32, %arg1: i32, %arg2: memref<10000x128xf32, #tpu.memory_space<hbm>>, %arg3: memref<32x80x2x125xi32, #tpu.memory_space<hbm>>, %arg4: memref<640x128xf32, #tpu.memory_space<hbm>>, %arg5: memref<2x10240x128xf32, #tpu.memory_space<hbm>>, %arg6: memref<2x2x125xi32, #tpu.memory_space<vmem>>, %arg7: memref<2x125x128xf32, #tpu.memory_space<vmem>>, %arg8: memref<10240x128xf32, #tpu.memory_space<vmem_shared>>, %arg9: memref<!tpu.dma_semaphore, #tpu.memory_space<semaphore_mem>>) attributes {dimension_semantics = [#tpu.dimension_semantics<core_parallel>, #tpu.dimension_semantics<subcore_parallel>], iteration_bounds = array<i64: 2, 16>, scalar_prefetch = 0 : i64, scratch_operands = 4 : i64, tpu.core_type = #tpu.core_type<sc_vector_subcore>, window_params = [{transform_indices = #map}, {transform_indices = #map1}, {transform_indices = #map}, {transform_indices = #map2}]} {
    %mul3A = arith.constant 16 : i32
    %mul3A_0 = arith.muli %arg0, %mul3A : i32
    %add3A = arith.addi %mul3A_0, %arg1 : i32
    %mul3A_1 = arith.constant 640 : i32
    %mul3A_2 = arith.muli %arg1, %mul3A_1 : i32
    "tpu.region"() ({
      %run_scoped3A_17 = tpu.sem_alloc : memref<!tpu.dma_semaphore, #tpu.memory_space<semaphore_mem>>
      %dma_start3A = arith.constant 0 : i32
      %dma_start3A_18 = tpu.memref_slice %arg8[%mul3A_2, %dma_start3A] : memref<10240x128xf32, #tpu.memory_space<vmem_shared>> -> memref<640x128xf32, #tpu.memory_space<vmem_shared>>
      tpu.enqueue_dma source(%arg4 : memref<640x128xf32, #tpu.memory_space<hbm>>) target(%dma_start3A_18 : memref<640x128xf32, #tpu.memory_space<vmem_shared>>) target_semaphore(%run_scoped3A_17 : memref<!tpu.dma_semaphore, #tpu.memory_space<semaphore_mem>>)
      %dma_wait3A = arith.constant 0 : i32
      %dma_wait3A_19 = tpu.memref_slice %arg8[%mul3A_2, %dma_wait3A] : memref<10240x128xf32, #tpu.memory_space<vmem_shared>> -> memref<640x128xf32, #tpu.memory_space<vmem_shared>>
      tpu.wait_dma2 semaphore(%run_scoped3A_17 : memref<!tpu.dma_semaphore, #tpu.memory_space<semaphore_mem>>) src(%arg4 : memref<640x128xf32, #tpu.memory_space<hbm>>) dst(%dma_wait3A_19 : memref<640x128xf32, #tpu.memory_space<vmem_shared>>)
      tpu.yield
    }) : () -> ()
    %barrier3A = arith.constant 0 : index
    tpu.barrier barrier_id(%barrier3A)
    %run_scoped3A = arith.constant 0 : i32
    %run_scoped3A_3 = arith.constant 0 : i32
    "tpu.region"() ({
      %run_scoped3A_17 = tpu.sem_alloc : memref<!tpu.dma_semaphore, #tpu.memory_space<semaphore_mem>>
      %dma_start3A = arith.constant 0 : i32
      %dma_start3A_18 = arith.constant 0 : i32
      %dma_start3A_19 = tpu.memref_slice %arg6[%run_scoped3A_3, %dma_start3A, %dma_start3A_18] : memref<2x2x125xi32, #tpu.memory_space<vmem>> -> memref<1x2x125xi32, #tpu.memory_space<vmem>>
      %dma_start3A_20 = tpu.memref_squeeze %dma_start3A_19 : memref<1x2x125xi32, #tpu.memory_space<vmem>> -> memref<2x125xi32, #tpu.memory_space<vmem>>
      %dma_start3A_21 = arith.constant 0 : i32
      %dma_start3A_22 = arith.constant 0 : i32
      %dma_start3A_23 = tpu.memref_slice %arg3[%add3A, %run_scoped3A, %dma_start3A_21, %dma_start3A_22] : memref<32x80x2x125xi32, #tpu.memory_space<hbm>> -> memref<1x1x2x125xi32, #tpu.memory_space<hbm>>
      %dma_start3A_24 = tpu.memref_squeeze %dma_start3A_23 : memref<1x1x2x125xi32, #tpu.memory_space<hbm>> -> memref<2x125xi32, #tpu.memory_space<hbm>>
      %dma_start3A_25 = arith.constant 0 : i32
      %dma_start3A_26 = arith.constant 0 : i32
      %dma_start3A_27 = tpu.memref_slice %arg6[%run_scoped3A_3, %dma_start3A_25, %dma_start3A_26] : memref<2x2x125xi32, #tpu.memory_space<vmem>> -> memref<1x2x125xi32, #tpu.memory_space<vmem>>
      %dma_start3A_28 = tpu.memref_squeeze %dma_start3A_27 : memref<1x2x125xi32, #tpu.memory_space<vmem>> -> memref<2x125xi32, #tpu.memory_space<vmem>>
      %dma_start3A_29 = arith.constant 0 : i32
      %dma_start3A_30 = arith.constant 0 : i32
      %dma_start3A_31 = tpu.memref_slice %arg3[%add3A, %run_scoped3A, %dma_start3A_29, %dma_start3A_30] : memref<32x80x2x125xi32, #tpu.memory_space<hbm>> -> memref<1x1x2x125xi32, #tpu.memory_space<hbm>>
      %dma_start3A_32 = tpu.memref_squeeze %dma_start3A_31 : memref<1x1x2x125xi32, #tpu.memory_space<hbm>> -> memref<2x125xi32, #tpu.memory_space<hbm>>
      tpu.enqueue_dma source(%dma_start3A_32 : memref<2x125xi32, #tpu.memory_space<hbm>>) target(%dma_start3A_28 : memref<2x125xi32, #tpu.memory_space<vmem>>) target_semaphore(%run_scoped3A_17 : memref<!tpu.dma_semaphore, #tpu.memory_space<semaphore_mem>>)
      %dma_wait3A = arith.constant 0 : i32
      %dma_wait3A_33 = arith.constant 0 : i32
      %dma_wait3A_34 = tpu.memref_slice %arg6[%run_scoped3A_3, %dma_wait3A, %dma_wait3A_33] : memref<2x2x125xi32, #tpu.memory_space<vmem>> -> memref<1x2x125xi32, #tpu.memory_space<vmem>>
      %dma_wait3A_35 = tpu.memref_squeeze %dma_wait3A_34 : memref<1x2x125xi32, #tpu.memory_space<vmem>> -> memref<2x125xi32, #tpu.memory_space<vmem>>
      %dma_wait3A_36 = arith.constant 0 : i32
      %dma_wait3A_37 = arith.constant 0 : i32
      %dma_wait3A_38 = tpu.memref_slice %arg3[%add3A, %run_scoped3A, %dma_wait3A_36, %dma_wait3A_37] : memref<32x80x2x125xi32, #tpu.memory_space<hbm>> -> memref<1x1x2x125xi32, #tpu.memory_space<hbm>>
      %dma_wait3A_39 = tpu.memref_squeeze %dma_wait3A_38 : memref<1x1x2x125xi32, #tpu.memory_space<hbm>> -> memref<2x125xi32, #tpu.memory_space<hbm>>
      %dma_wait3A_40 = arith.constant 0 : i32
      %dma_wait3A_41 = arith.constant 0 : i32
      %dma_wait3A_42 = tpu.memref_slice %arg6[%run_scoped3A_3, %dma_wait3A_40, %dma_wait3A_41] : memref<2x2x125xi32, #tpu.memory_space<vmem>> -> memref<1x2x125xi32, #tpu.memory_space<vmem>>
      %dma_wait3A_43 = tpu.memref_squeeze %dma_wait3A_42 : memref<1x2x125xi32, #tpu.memory_space<vmem>> -> memref<2x125xi32, #tpu.memory_space<vmem>>
      %dma_wait3A_44 = arith.constant 0 : i32
      %dma_wait3A_45 = arith.constant 0 : i32
      %dma_wait3A_46 = tpu.memref_slice %arg3[%add3A, %run_scoped3A, %dma_wait3A_44, %dma_wait3A_45] : memref<32x80x2x125xi32, #tpu.memory_space<hbm>> -> memref<1x1x2x125xi32, #tpu.memory_space<hbm>>
      %dma_wait3A_47 = tpu.memref_squeeze %dma_wait3A_46 : memref<1x1x2x125xi32, #tpu.memory_space<hbm>> -> memref<2x125xi32, #tpu.memory_space<hbm>>
      tpu.wait_dma2 semaphore(%run_scoped3A_17 : memref<!tpu.dma_semaphore, #tpu.memory_space<semaphore_mem>>) src(%dma_wait3A_47 : memref<2x125xi32, #tpu.memory_space<hbm>>) dst(%dma_wait3A_43 : memref<2x125xi32, #tpu.memory_space<vmem>>)
      tpu.yield
    }) : () -> ()
    %run_scoped3A_4 = arith.constant 0 : i32
    %run_scoped3A_5 = arith.constant 0 : i32
    %run_scoped3A_6 = arith.constant 0 : i32
    "tpu.region"() ({
      %run_scoped3A_17 = tpu.sem_alloc : memref<!tpu.dma_semaphore, #tpu.memory_space<semaphore_mem>>
      %dma_start3A = arith.constant 0 : i32
      %dma_start3A_18 = arith.constant 0 : i32
      %dma_start3A_19 = tpu.memref_slice %arg7[%run_scoped3A_6, %dma_start3A, %dma_start3A_18] : memref<2x125x128xf32, #tpu.memory_space<vmem>> -> memref<1x125x128xf32, #tpu.memory_space<vmem>>
      %dma_start3A_20 = tpu.memref_squeeze %dma_start3A_19 : memref<1x125x128xf32, #tpu.memory_space<vmem>> -> memref<125x128xf32, #tpu.memory_space<vmem>>
      %dma_start3A_21 = arith.constant 0 : i32
      %dma_start3A_22 = tpu.memref_slice %arg6[%run_scoped3A_4, %run_scoped3A_5, %dma_start3A_21] : memref<2x2x125xi32, #tpu.memory_space<vmem>> -> memref<1x1x125xi32, #tpu.memory_space<vmem>>
      %dma_start3A_23 = tpu.memref_squeeze %dma_start3A_22 : memref<1x1x125xi32, #tpu.memory_space<vmem>> -> memref<125xi32, #tpu.memory_space<vmem>>
      %dma_start3A_24 = arith.constant 0 : i32
      %dma_start3A_25 = arith.constant 0 : i32
      %dma_start3A_26 = tpu.memref_slice %arg2[%dma_start3A_24, %dma_start3A_25] : memref<10000x128xf32, #tpu.memory_space<hbm>> -> memref<10000x128xf32, #tpu.memory_space<hbm>>
      tpu.enqueue_indirect_dma source(%dma_start3A_26 : memref<10000x128xf32, #tpu.memory_space<hbm>>) target(%dma_start3A_20 : memref<125x128xf32, #tpu.memory_space<vmem>>) offsets(%dma_start3A_23 : memref<125xi32, #tpu.memory_space<vmem>>) semaphore(%run_scoped3A_17 : memref<!tpu.dma_semaphore, #tpu.memory_space<semaphore_mem>>)
      %dma_wait3A = arith.constant 0 : i32
      %dma_wait3A_27 = arith.constant 0 : i32
      %dma_wait3A_28 = tpu.memref_slice %arg7[%run_scoped3A_6, %dma_wait3A, %dma_wait3A_27] : memref<2x125x128xf32, #tpu.memory_space<vmem>> -> memref<1x125x128xf32, #tpu.memory_space<vmem>>
      %dma_wait3A_29 = tpu.memref_squeeze %dma_wait3A_28 : memref<1x125x128xf32, #tpu.memory_space<vmem>> -> memref<125x128xf32, #tpu.memory_space<vmem>>
      %dma_wait3A_30 = arith.constant 0 : i32
      %dma_wait3A_31 = tpu.memref_slice %arg6[%run_scoped3A_4, %run_scoped3A_5, %dma_wait3A_30] : memref<2x2x125xi32, #tpu.memory_space<vmem>> -> memref<1x1x125xi32, #tpu.memory_space<vmem>>
      %dma_wait3A_32 = tpu.memref_squeeze %dma_wait3A_31 : memref<1x1x125xi32, #tpu.memory_space<vmem>> -> memref<125xi32, #tpu.memory_space<vmem>>
      %dma_wait3A_33 = arith.constant 0 : i32
      %dma_wait3A_34 = arith.constant 0 : i32
      %dma_wait3A_35 = tpu.memref_slice %arg2[%dma_wait3A_33, %dma_wait3A_34] : memref<10000x128xf32, #tpu.memory_space<hbm>> -> memref<10000x128xf32, #tpu.memory_space<hbm>>
      tpu.wait_indirect_dma semaphore(%run_scoped3A_17 : memref<!tpu.dma_semaphore, #tpu.memory_space<semaphore_mem>>) src(%dma_wait3A_35 : memref<10000x128xf32, #tpu.memory_space<hbm>>) dst(%dma_wait3A_29 : memref<125x128xf32, #tpu.memory_space<vmem>>)
      tpu.yield
    }) : () -> ()
    %scan3A = arith.constant 0 : i32
    %scan3A_7 = arith.constant 0 : i32
    %scan3A_8 = arith.constant 80 : i32
    %scan3A_9 = arith.addi %scan3A_7, %scan3A_8 : i32
    %scan3A_10 = arith.constant 1 : i32
    scf.for %scan3A_17 = %scan3A_7 to %scan3A_9 step %scan3A_10  : i32 {
      %rem3A = arith.constant 2 : i32
      %rem3A_18 = arith.remsi %scan3A_17, %rem3A : i32
      %add3A_19 = arith.constant 1 : i32
      %add3A_20 = arith.addi %scan3A_17, %add3A_19 : i32
      %rem3A_21 = arith.constant 2 : i32
      %rem3A_22 = arith.remsi %add3A_20, %rem3A_21 : i32
      %dma_start3A = arith.constant 1 : i32
      %dma_start3A_23 = arith.constant 0 : i32
      %dma_start3A_24 = arith.constant 0 : i32
      %dma_start3A_25 = tpu.memref_slice %arg7[%rem3A_18, %dma_start3A_23, %dma_start3A_24] : memref<2x125x128xf32, #tpu.memory_space<vmem>> -> memref<1x125x128xf32, #tpu.memory_space<vmem>>
      %dma_start3A_26 = tpu.memref_squeeze %dma_start3A_25 : memref<1x125x128xf32, #tpu.memory_space<vmem>> -> memref<125x128xf32, #tpu.memory_space<vmem>>
      %dma_start3A_27 = arith.constant 0 : i32
      %dma_start3A_28 = tpu.memref_slice %arg6[%rem3A_18, %dma_start3A, %dma_start3A_27] : memref<2x2x125xi32, #tpu.memory_space<vmem>> -> memref<1x1x125xi32, #tpu.memory_space<vmem>>
      %dma_start3A_29 = tpu.memref_squeeze %dma_start3A_28 : memref<1x1x125xi32, #tpu.memory_space<vmem>> -> memref<125xi32, #tpu.memory_space<vmem>>
      %dma_start3A_30 = arith.constant 0 : i32
      %dma_start3A_31 = arith.constant 0 : i32
      %dma_start3A_32 = tpu.memref_slice %arg8[%dma_start3A_30, %dma_start3A_31] : memref<10240x128xf32, #tpu.memory_space<vmem_shared>> -> memref<10240x128xf32, #tpu.memory_space<vmem_shared>>
      tpu.enqueue_indirect_dma source(%dma_start3A_26 : memref<125x128xf32, #tpu.memory_space<vmem>>) target(%dma_start3A_32 : memref<10240x128xf32, #tpu.memory_space<vmem_shared>>) offsets(%dma_start3A_29 : memref<125xi32, #tpu.memory_space<vmem>>) semaphore(%arg9 : memref<!tpu.dma_semaphore, #tpu.memory_space<semaphore_mem>>) {add = true}
      %add3A_33 = arith.constant 1 : i32
      %add3A_34 = arith.addi %scan3A_17, %add3A_33 : i32
      %lt3A = arith.constant 80 : i32
      %lt3A_35 = arith.cmpi slt, %add3A_34, %lt3A : i32
      %convert_element_type3A = arith.extui %lt3A_35 : i1 to i32
      %cond3A = arith.constant 0 : i32
      %cond3A_36 = arith.cmpi ne, %convert_element_type3A, %cond3A : i32
      scf.if %cond3A_36 {
        %add3A_47 = arith.constant 1 : i32
        %add3A_48 = arith.addi %scan3A_17, %add3A_47 : i32
        "tpu.region"() ({
          %run_scoped3A_50 = tpu.sem_alloc : memref<!tpu.dma_semaphore, #tpu.memory_space<semaphore_mem>>
          %dma_start3A_51 = arith.constant 0 : i32
          %dma_start3A_52 = arith.constant 0 : i32
          %dma_start3A_53 = tpu.memref_slice %arg6[%rem3A_22, %dma_start3A_51, %dma_start3A_52] : memref<2x2x125xi32, #tpu.memory_space<vmem>> -> memref<1x2x125xi32, #tpu.memory_space<vmem>>
          %dma_start3A_54 = tpu.memref_squeeze %dma_start3A_53 : memref<1x2x125xi32, #tpu.memory_space<vmem>> -> memref<2x125xi32, #tpu.memory_space<vmem>>
          %dma_start3A_55 = arith.constant 0 : i32
          %dma_start3A_56 = arith.constant 0 : i32
          %dma_start3A_57 = tpu.memref_slice %arg3[%add3A, %add3A_48, %dma_start3A_55, %dma_start3A_56] : memref<32x80x2x125xi32, #tpu.memory_space<hbm>> -> memref<1x1x2x125xi32, #tpu.memory_space<hbm>>
          %dma_start3A_58 = tpu.memref_squeeze %dma_start3A_57 : memref<1x1x2x125xi32, #tpu.memory_space<hbm>> -> memref<2x125xi32, #tpu.memory_space<hbm>>
          %dma_start3A_59 = arith.constant 0 : i32
          %dma_start3A_60 = arith.constant 0 : i32
          %dma_start3A_61 = tpu.memref_slice %arg6[%rem3A_22, %dma_start3A_59, %dma_start3A_60] : memref<2x2x125xi32, #tpu.memory_space<vmem>> -> memref<1x2x125xi32, #tpu.memory_space<vmem>>
          %dma_start3A_62 = tpu.memref_squeeze %dma_start3A_61 : memref<1x2x125xi32, #tpu.memory_space<vmem>> -> memref<2x125xi32, #tpu.memory_space<vmem>>
          %dma_start3A_63 = arith.constant 0 : i32
          %dma_start3A_64 = arith.constant 0 : i32
          %dma_start3A_65 = tpu.memref_slice %arg3[%add3A, %add3A_48, %dma_start3A_63, %dma_start3A_64] : memref<32x80x2x125xi32, #tpu.memory_space<hbm>> -> memref<1x1x2x125xi32, #tpu.memory_space<hbm>>
          %dma_start3A_66 = tpu.memref_squeeze %dma_start3A_65 : memref<1x1x2x125xi32, #tpu.memory_space<hbm>> -> memref<2x125xi32, #tpu.memory_space<hbm>>
          tpu.enqueue_dma source(%dma_start3A_66 : memref<2x125xi32, #tpu.memory_space<hbm>>) target(%dma_start3A_62 : memref<2x125xi32, #tpu.memory_space<vmem>>) target_semaphore(%run_scoped3A_50 : memref<!tpu.dma_semaphore, #tpu.memory_space<semaphore_mem>>)
          %dma_wait3A_67 = arith.constant 0 : i32
          %dma_wait3A_68 = arith.constant 0 : i32
          %dma_wait3A_69 = tpu.memref_slice %arg6[%rem3A_22, %dma_wait3A_67, %dma_wait3A_68] : memref<2x2x125xi32, #tpu.memory_space<vmem>> -> memref<1x2x125xi32, #tpu.memory_space<vmem>>
          %dma_wait3A_70 = tpu.memref_squeeze %dma_wait3A_69 : memref<1x2x125xi32, #tpu.memory_space<vmem>> -> memref<2x125xi32, #tpu.memory_space<vmem>>
          %dma_wait3A_71 = arith.constant 0 : i32
          %dma_wait3A_72 = arith.constant 0 : i32
          %dma_wait3A_73 = tpu.memref_slice %arg3[%add3A, %add3A_48, %dma_wait3A_71, %dma_wait3A_72] : memref<32x80x2x125xi32, #tpu.memory_space<hbm>> -> memref<1x1x2x125xi32, #tpu.memory_space<hbm>>
          %dma_wait3A_74 = tpu.memref_squeeze %dma_wait3A_73 : memref<1x1x2x125xi32, #tpu.memory_space<hbm>> -> memref<2x125xi32, #tpu.memory_space<hbm>>
          %dma_wait3A_75 = arith.constant 0 : i32
          %dma_wait3A_76 = arith.constant 0 : i32
          %dma_wait3A_77 = tpu.memref_slice %arg6[%rem3A_22, %dma_wait3A_75, %dma_wait3A_76] : memref<2x2x125xi32, #tpu.memory_space<vmem>> -> memref<1x2x125xi32, #tpu.memory_space<vmem>>
          %dma_wait3A_78 = tpu.memref_squeeze %dma_wait3A_77 : memref<1x2x125xi32, #tpu.memory_space<vmem>> -> memref<2x125xi32, #tpu.memory_space<vmem>>
          %dma_wait3A_79 = arith.constant 0 : i32
          %dma_wait3A_80 = arith.constant 0 : i32
          %dma_wait3A_81 = tpu.memref_slice %arg3[%add3A, %add3A_48, %dma_wait3A_79, %dma_wait3A_80] : memref<32x80x2x125xi32, #tpu.memory_space<hbm>> -> memref<1x1x2x125xi32, #tpu.memory_space<hbm>>
          %dma_wait3A_82 = tpu.memref_squeeze %dma_wait3A_81 : memref<1x1x2x125xi32, #tpu.memory_space<hbm>> -> memref<2x125xi32, #tpu.memory_space<hbm>>
          tpu.wait_dma2 semaphore(%run_scoped3A_50 : memref<!tpu.dma_semaphore, #tpu.memory_space<semaphore_mem>>) src(%dma_wait3A_82 : memref<2x125xi32, #tpu.memory_space<hbm>>) dst(%dma_wait3A_78 : memref<2x125xi32, #tpu.memory_space<vmem>>)
          tpu.yield
        }) : () -> ()
        %run_scoped3A_49 = arith.constant 0 : i32
        "tpu.region"() ({
          %run_scoped3A_50 = tpu.sem_alloc : memref<!tpu.dma_semaphore, #tpu.memory_space<semaphore_mem>>
          %dma_start3A_51 = arith.constant 0 : i32
          %dma_start3A_52 = arith.constant 0 : i32
          %dma_start3A_53 = tpu.memref_slice %arg7[%rem3A_22, %dma_start3A_51, %dma_start3A_52] : memref<2x125x128xf32, #tpu.memory_space<vmem>> -> memref<1x125x128xf32, #tpu.memory_space<vmem>>
          %dma_start3A_54 = tpu.memref_squeeze %dma_start3A_53 : memref<1x125x128xf32, #tpu.memory_space<vmem>> -> memref<125x128xf32, #tpu.memory_space<vmem>>
          %dma_start3A_55 = arith.constant 0 : i32
          %dma_start3A_56 = tpu.memref_slice %arg6[%rem3A_22, %run_scoped3A_49, %dma_start3A_55] : memref<2x2x125xi32, #tpu.memory_space<vmem>> -> memref<1x1x125xi32, #tpu.memory_space<vmem>>
          %dma_start3A_57 = tpu.memref_squeeze %dma_start3A_56 : memref<1x1x125xi32, #tpu.memory_space<vmem>> -> memref<125xi32, #tpu.memory_space<vmem>>
          %dma_start3A_58 = arith.constant 0 : i32
          %dma_start3A_59 = arith.constant 0 : i32
          %dma_start3A_60 = tpu.memref_slice %arg2[%dma_start3A_58, %dma_start3A_59] : memref<10000x128xf32, #tpu.memory_space<hbm>> -> memref<10000x128xf32, #tpu.memory_space<hbm>>
          tpu.enqueue_indirect_dma source(%dma_start3A_60 : memref<10000x128xf32, #tpu.memory_space<hbm>>) target(%dma_start3A_54 : memref<125x128xf32, #tpu.memory_space<vmem>>) offsets(%dma_start3A_57 : memref<125xi32, #tpu.memory_space<vmem>>) semaphore(%run_scoped3A_50 : memref<!tpu.dma_semaphore, #tpu.memory_space<semaphore_mem>>)
          %dma_wait3A_61 = arith.constant 0 : i32
          %dma_wait3A_62 = arith.constant 0 : i32
          %dma_wait3A_63 = tpu.memref_slice %arg7[%rem3A_22, %dma_wait3A_61, %dma_wait3A_62] : memref<2x125x128xf32, #tpu.memory_space<vmem>> -> memref<1x125x128xf32, #tpu.memory_space<vmem>>
          %dma_wait3A_64 = tpu.memref_squeeze %dma_wait3A_63 : memref<1x125x128xf32, #tpu.memory_space<vmem>> -> memref<125x128xf32, #tpu.memory_space<vmem>>
          %dma_wait3A_65 = arith.constant 0 : i32
          %dma_wait3A_66 = tpu.memref_slice %arg6[%rem3A_22, %run_scoped3A_49, %dma_wait3A_65] : memref<2x2x125xi32, #tpu.memory_space<vmem>> -> memref<1x1x125xi32, #tpu.memory_space<vmem>>
          %dma_wait3A_67 = tpu.memref_squeeze %dma_wait3A_66 : memref<1x1x125xi32, #tpu.memory_space<vmem>> -> memref<125xi32, #tpu.memory_space<vmem>>
          %dma_wait3A_68 = arith.constant 0 : i32
          %dma_wait3A_69 = arith.constant 0 : i32
          %dma_wait3A_70 = tpu.memref_slice %arg2[%dma_wait3A_68, %dma_wait3A_69] : memref<10000x128xf32, #tpu.memory_space<hbm>> -> memref<10000x128xf32, #tpu.memory_space<hbm>>
          tpu.wait_indirect_dma semaphore(%run_scoped3A_50 : memref<!tpu.dma_semaphore, #tpu.memory_space<semaphore_mem>>) src(%dma_wait3A_70 : memref<10000x128xf32, #tpu.memory_space<hbm>>) dst(%dma_wait3A_64 : memref<125x128xf32, #tpu.memory_space<vmem>>)
          tpu.yield
        }) : () -> ()
      } else {
      }
      %dma_wait3A = arith.constant 1 : i32
      %dma_wait3A_37 = arith.constant 0 : i32
      %dma_wait3A_38 = arith.constant 0 : i32
      %dma_wait3A_39 = tpu.memref_slice %arg7[%rem3A_18, %dma_wait3A_37, %dma_wait3A_38] : memref<2x125x128xf32, #tpu.memory_space<vmem>> -> memref<1x125x128xf32, #tpu.memory_space<vmem>>
      %dma_wait3A_40 = tpu.memref_squeeze %dma_wait3A_39 : memref<1x125x128xf32, #tpu.memory_space<vmem>> -> memref<125x128xf32, #tpu.memory_space<vmem>>
      %dma_wait3A_41 = arith.constant 0 : i32
      %dma_wait3A_42 = tpu.memref_slice %arg6[%rem3A_18, %dma_wait3A, %dma_wait3A_41] : memref<2x2x125xi32, #tpu.memory_space<vmem>> -> memref<1x1x125xi32, #tpu.memory_space<vmem>>
      %dma_wait3A_43 = tpu.memref_squeeze %dma_wait3A_42 : memref<1x1x125xi32, #tpu.memory_space<vmem>> -> memref<125xi32, #tpu.memory_space<vmem>>
      %dma_wait3A_44 = arith.constant 0 : i32
      %dma_wait3A_45 = arith.constant 0 : i32
      %dma_wait3A_46 = tpu.memref_slice %arg8[%dma_wait3A_44, %dma_wait3A_45] : memref<10240x128xf32, #tpu.memory_space<vmem_shared>> -> memref<10240x128xf32, #tpu.memory_space<vmem_shared>>
      tpu.wait_indirect_dma semaphore(%arg9 : memref<!tpu.dma_semaphore, #tpu.memory_space<semaphore_mem>>) src(%dma_wait3A_40 : memref<125x128xf32, #tpu.memory_space<vmem>>) dst(%dma_wait3A_46 : memref<10240x128xf32, #tpu.memory_space<vmem_shared>>)
    }
    %scan3A_11 = arith.constant 80 : i32
    %barrier3A_12 = arith.constant 0 : index
    tpu.barrier barrier_id(%barrier3A_12)
    %mul3A_13 = arith.constant 640 : i32
    %mul3A_14 = arith.muli %arg1, %mul3A_13 : i32
    %mul3A_15 = arith.constant 640 : i32
    %mul3A_16 = arith.muli %arg1, %mul3A_15 : i32
    "tpu.region"() ({
      %run_scoped3A_17 = tpu.sem_alloc : memref<!tpu.dma_semaphore, #tpu.memory_space<semaphore_mem>>
      %dma_start3A = arith.constant 0 : i32
      %dma_start3A_18 = tpu.memref_slice %arg5[%arg0, %mul3A_16, %dma_start3A] : memref<2x10240x128xf32, #tpu.memory_space<hbm>> -> memref<1x640x128xf32, #tpu.memory_space<hbm>>
      %dma_start3A_19 = tpu.memref_squeeze %dma_start3A_18 : memref<1x640x128xf32, #tpu.memory_space<hbm>> -> memref<640x128xf32, #tpu.memory_space<hbm>>
      %dma_start3A_20 = arith.constant 0 : i32
      %dma_start3A_21 = tpu.memref_slice %arg8[%mul3A_14, %dma_start3A_20] : memref<10240x128xf32, #tpu.memory_space<vmem_shared>> -> memref<640x128xf32, #tpu.memory_space<vmem_shared>>
      tpu.enqueue_dma source(%dma_start3A_21 : memref<640x128xf32, #tpu.memory_space<vmem_shared>>) target(%dma_start3A_19 : memref<640x128xf32, #tpu.memory_space<hbm>>) target_semaphore(%run_scoped3A_17 : memref<!tpu.dma_semaphore, #tpu.memory_space<semaphore_mem>>)
      %dma_wait3A = arith.constant 0 : i32
      %dma_wait3A_22 = tpu.memref_slice %arg5[%arg0, %mul3A_16, %dma_wait3A] : memref<2x10240x128xf32, #tpu.memory_space<hbm>> -> memref<1x640x128xf32, #tpu.memory_space<hbm>>
      %dma_wait3A_23 = tpu.memref_squeeze %dma_wait3A_22 : memref<1x640x128xf32, #tpu.memory_space<hbm>> -> memref<640x128xf32, #tpu.memory_space<hbm>>
      %dma_wait3A_24 = arith.constant 0 : i32
      %dma_wait3A_25 = tpu.memref_slice %arg8[%mul3A_14, %dma_wait3A_24] : memref<10240x128xf32, #tpu.memory_space<vmem_shared>> -> memref<640x128xf32, #tpu.memory_space<vmem_shared>>
      tpu.wait_dma2 semaphore(%run_scoped3A_17 : memref<!tpu.dma_semaphore, #tpu.memory_space<semaphore_mem>>) src(%dma_wait3A_25 : memref<640x128xf32, #tpu.memory_space<vmem_shared>>) dst(%dma_wait3A_23 : memref<640x128xf32, #tpu.memory_space<hbm>>)
      tpu.yield
    }) : () -> ()
    return
  }
}

#map = affine_map<(d0, d1) -> (0, 0, 0)>
#map1 = affine_map<(d0, d1) -> (0, 0)>
module attributes {stable_mosaic.version = 14 : i64} {
  func.func @_cnt_body(%arg0: i32, %arg1: i32, %arg2: memref<32x80x125xi32, #tpu.memory_space<hbm>>, %arg3: memref<32x96xi32, #tpu.memory_space<hbm>>, %arg4: memref<640x128xf32, #tpu.memory_space<hbm>>, %arg5: memref<125x128xf32, #tpu.memory_space<hbm>>, %arg6: memref<2x10240x128xf32, #tpu.memory_space<hbm>>, %arg7: memref<80x125xi32, #tpu.memory_space<vmem>>, %arg8: memref<96xi32, #tpu.memory_space<vmem>>, %arg9: memref<125x128xf32, #tpu.memory_space<vmem>>, %arg10: memref<10240x128xf32, #tpu.memory_space<vmem_shared>>, %arg11: memref<!tpu.dma_semaphore, #tpu.memory_space<semaphore_mem>>) attributes {dimension_semantics = [#tpu.dimension_semantics<core_parallel>, #tpu.dimension_semantics<subcore_parallel>], iteration_bounds = array<i64: 2, 16>, scalar_prefetch = 0 : i64, scratch_operands = 5 : i64, tpu.core_type = #tpu.core_type<sc_vector_subcore>, window_params = [{transform_indices = #map}, {transform_indices = #map1}, {transform_indices = #map1}, {transform_indices = #map1}, {transform_indices = #map}]} {
    %mul3A = arith.constant 16 : i32
    %mul3A_0 = arith.muli %arg0, %mul3A : i32
    %add3A = arith.addi %mul3A_0, %arg1 : i32
    %mul3A_1 = arith.constant 640 : i32
    %mul3A_2 = arith.muli %arg1, %mul3A_1 : i32
    "tpu.region"() ({
      %run_scoped3A = tpu.sem_alloc : memref<!tpu.dma_semaphore, #tpu.memory_space<semaphore_mem>>
      %dma_start3A = arith.constant 0 : i32
      %dma_start3A_13 = tpu.memref_slice %arg10[%mul3A_2, %dma_start3A] : memref<10240x128xf32, #tpu.memory_space<vmem_shared>> -> memref<640x128xf32, #tpu.memory_space<vmem_shared>>
      tpu.enqueue_dma source(%arg4 : memref<640x128xf32, #tpu.memory_space<hbm>>) target(%dma_start3A_13 : memref<640x128xf32, #tpu.memory_space<vmem_shared>>) target_semaphore(%run_scoped3A : memref<!tpu.dma_semaphore, #tpu.memory_space<semaphore_mem>>)
      %dma_wait3A = arith.constant 0 : i32
      %dma_wait3A_14 = tpu.memref_slice %arg10[%mul3A_2, %dma_wait3A] : memref<10240x128xf32, #tpu.memory_space<vmem_shared>> -> memref<640x128xf32, #tpu.memory_space<vmem_shared>>
      tpu.wait_dma2 semaphore(%run_scoped3A : memref<!tpu.dma_semaphore, #tpu.memory_space<semaphore_mem>>) src(%arg4 : memref<640x128xf32, #tpu.memory_space<hbm>>) dst(%dma_wait3A_14 : memref<640x128xf32, #tpu.memory_space<vmem_shared>>)
      tpu.yield
    }) : () -> ()
    "tpu.region"() ({
      %run_scoped3A = tpu.sem_alloc : memref<!tpu.dma_semaphore, #tpu.memory_space<semaphore_mem>>
      tpu.enqueue_dma source(%arg5 : memref<125x128xf32, #tpu.memory_space<hbm>>) target(%arg9 : memref<125x128xf32, #tpu.memory_space<vmem>>) target_semaphore(%run_scoped3A : memref<!tpu.dma_semaphore, #tpu.memory_space<semaphore_mem>>)
      tpu.wait_dma2 semaphore(%run_scoped3A : memref<!tpu.dma_semaphore, #tpu.memory_space<semaphore_mem>>) src(%arg5 : memref<125x128xf32, #tpu.memory_space<hbm>>) dst(%arg9 : memref<125x128xf32, #tpu.memory_space<vmem>>)
      tpu.yield
    }) : () -> ()
    "tpu.region"() ({
      %run_scoped3A = tpu.sem_alloc : memref<!tpu.dma_semaphore, #tpu.memory_space<semaphore_mem>>
      %dma_start3A = arith.constant 0 : i32
      %dma_start3A_13 = arith.constant 0 : i32
      %dma_start3A_14 = tpu.memref_slice %arg2[%add3A, %dma_start3A, %dma_start3A_13] : memref<32x80x125xi32, #tpu.memory_space<hbm>> -> memref<1x80x125xi32, #tpu.memory_space<hbm>>
      %dma_start3A_15 = tpu.memref_squeeze %dma_start3A_14 : memref<1x80x125xi32, #tpu.memory_space<hbm>> -> memref<80x125xi32, #tpu.memory_space<hbm>>
      %dma_start3A_16 = arith.constant 0 : i32
      %dma_start3A_17 = arith.constant 0 : i32
      %dma_start3A_18 = tpu.memref_slice %arg2[%add3A, %dma_start3A_16, %dma_start3A_17] : memref<32x80x125xi32, #tpu.memory_space<hbm>> -> memref<1x80x125xi32, #tpu.memory_space<hbm>>
      %dma_start3A_19 = tpu.memref_squeeze %dma_start3A_18 : memref<1x80x125xi32, #tpu.memory_space<hbm>> -> memref<80x125xi32, #tpu.memory_space<hbm>>
      tpu.enqueue_dma source(%dma_start3A_19 : memref<80x125xi32, #tpu.memory_space<hbm>>) target(%arg7 : memref<80x125xi32, #tpu.memory_space<vmem>>) target_semaphore(%run_scoped3A : memref<!tpu.dma_semaphore, #tpu.memory_space<semaphore_mem>>)
      %dma_wait3A = arith.constant 0 : i32
      %dma_wait3A_20 = arith.constant 0 : i32
      %dma_wait3A_21 = tpu.memref_slice %arg2[%add3A, %dma_wait3A, %dma_wait3A_20] : memref<32x80x125xi32, #tpu.memory_space<hbm>> -> memref<1x80x125xi32, #tpu.memory_space<hbm>>
      %dma_wait3A_22 = tpu.memref_squeeze %dma_wait3A_21 : memref<1x80x125xi32, #tpu.memory_space<hbm>> -> memref<80x125xi32, #tpu.memory_space<hbm>>
      %dma_wait3A_23 = arith.constant 0 : i32
      %dma_wait3A_24 = arith.constant 0 : i32
      %dma_wait3A_25 = tpu.memref_slice %arg2[%add3A, %dma_wait3A_23, %dma_wait3A_24] : memref<32x80x125xi32, #tpu.memory_space<hbm>> -> memref<1x80x125xi32, #tpu.memory_space<hbm>>
      %dma_wait3A_26 = tpu.memref_squeeze %dma_wait3A_25 : memref<1x80x125xi32, #tpu.memory_space<hbm>> -> memref<80x125xi32, #tpu.memory_space<hbm>>
      tpu.wait_dma2 semaphore(%run_scoped3A : memref<!tpu.dma_semaphore, #tpu.memory_space<semaphore_mem>>) src(%dma_wait3A_26 : memref<80x125xi32, #tpu.memory_space<hbm>>) dst(%arg7 : memref<80x125xi32, #tpu.memory_space<vmem>>)
      tpu.yield
    }) : () -> ()
    "tpu.region"() ({
      %run_scoped3A = tpu.sem_alloc : memref<!tpu.dma_semaphore, #tpu.memory_space<semaphore_mem>>
      %dma_start3A = arith.constant 0 : i32
      %dma_start3A_13 = tpu.memref_slice %arg3[%add3A, %dma_start3A] : memref<32x96xi32, #tpu.memory_space<hbm>> -> memref<1x96xi32, #tpu.memory_space<hbm>>
      %dma_start3A_14 = tpu.memref_squeeze %dma_start3A_13 : memref<1x96xi32, #tpu.memory_space<hbm>> -> memref<96xi32, #tpu.memory_space<hbm>>
      %dma_start3A_15 = arith.constant 0 : i32
      %dma_start3A_16 = tpu.memref_slice %arg3[%add3A, %dma_start3A_15] : memref<32x96xi32, #tpu.memory_space<hbm>> -> memref<1x96xi32, #tpu.memory_space<hbm>>
      %dma_start3A_17 = tpu.memref_squeeze %dma_start3A_16 : memref<1x96xi32, #tpu.memory_space<hbm>> -> memref<96xi32, #tpu.memory_space<hbm>>
      tpu.enqueue_dma source(%dma_start3A_17 : memref<96xi32, #tpu.memory_space<hbm>>) target(%arg8 : memref<96xi32, #tpu.memory_space<vmem>>) target_semaphore(%run_scoped3A : memref<!tpu.dma_semaphore, #tpu.memory_space<semaphore_mem>>)
      %dma_wait3A = arith.constant 0 : i32
      %dma_wait3A_18 = tpu.memref_slice %arg3[%add3A, %dma_wait3A] : memref<32x96xi32, #tpu.memory_space<hbm>> -> memref<1x96xi32, #tpu.memory_space<hbm>>
      %dma_wait3A_19 = tpu.memref_squeeze %dma_wait3A_18 : memref<1x96xi32, #tpu.memory_space<hbm>> -> memref<96xi32, #tpu.memory_space<hbm>>
      %dma_wait3A_20 = arith.constant 0 : i32
      %dma_wait3A_21 = tpu.memref_slice %arg3[%add3A, %dma_wait3A_20] : memref<32x96xi32, #tpu.memory_space<hbm>> -> memref<1x96xi32, #tpu.memory_space<hbm>>
      %dma_wait3A_22 = tpu.memref_squeeze %dma_wait3A_21 : memref<1x96xi32, #tpu.memory_space<hbm>> -> memref<96xi32, #tpu.memory_space<hbm>>
      tpu.wait_dma2 semaphore(%run_scoped3A : memref<!tpu.dma_semaphore, #tpu.memory_space<semaphore_mem>>) src(%dma_wait3A_22 : memref<96xi32, #tpu.memory_space<hbm>>) dst(%arg8 : memref<96xi32, #tpu.memory_space<vmem>>)
      tpu.yield
    }) : () -> ()
    %barrier3A = arith.constant 0 : index
    tpu.barrier barrier_id(%barrier3A)
    %scan3A = arith.constant 0 : i32
    %scan3A_3 = arith.constant 0 : i32
    %scan3A_4 = arith.constant 80 : i32
    %scan3A_5 = arith.addi %scan3A_3, %scan3A_4 : i32
    %scan3A_6 = arith.constant 1 : i32
    scf.for %scan3A_13 = %scan3A_3 to %scan3A_5 step %scan3A_6  : i32 {
      %get3A = arith.index_cast %scan3A_13 : i32 to index
      %get3A_14 = tpu.vector_load %arg8[%get3A] {strides = array<i32>} : memref<96xi32, #tpu.memory_space<vmem>>, vector<16xi32>,
      %get3A_15 = vector.shape_cast %get3A_14 : vector<16xi32> to vector<16xi32>
      %slice3A = vector.extract_strided_slice %get3A_15 {offsets = [0], sizes = [1], strides = [1]} : vector<16xi32> to vector<1xi32>
      %squeeze3A = vector.extract %slice3A[0] : i32 from vector<1xi32>
      %ne3A = arith.constant 0 : i32
      %ne3A_16 = arith.cmpi ne, %squeeze3A, %ne3A : i32
      %convert_element_type3A = arith.extui %ne3A_16 : i1 to i32
      %cond3A = arith.constant 0 : i32
      %cond3A_17 = arith.cmpi ne, %convert_element_type3A, %cond3A : i32
      scf.if %cond3A_17 {
        "tpu.region"() ({
          %run_scoped3A = tpu.sem_alloc : memref<!tpu.dma_semaphore, #tpu.memory_space<semaphore_mem>>
          %dma_start3A = arith.constant 0 : i32
          %dma_start3A_18 = tpu.memref_slice %arg7[%scan3A_13, %dma_start3A] : memref<80x125xi32, #tpu.memory_space<vmem>> -> memref<1x125xi32, #tpu.memory_space<vmem>>
          %dma_start3A_19 = tpu.memref_squeeze %dma_start3A_18 : memref<1x125xi32, #tpu.memory_space<vmem>> -> memref<125xi32, #tpu.memory_space<vmem>>
          %dma_start3A_20 = arith.constant 0 : i32
          %dma_start3A_21 = arith.constant 0 : i32
          %dma_start3A_22 = tpu.memref_slice %arg10[%dma_start3A_20, %dma_start3A_21] : memref<10240x128xf32, #tpu.memory_space<vmem_shared>> -> memref<10240x128xf32, #tpu.memory_space<vmem_shared>>
          tpu.enqueue_indirect_dma source(%arg9 : memref<125x128xf32, #tpu.memory_space<vmem>>) target(%dma_start3A_22 : memref<10240x128xf32, #tpu.memory_space<vmem_shared>>) offsets(%dma_start3A_19 : memref<125xi32, #tpu.memory_space<vmem>>) semaphore(%run_scoped3A : memref<!tpu.dma_semaphore, #tpu.memory_space<semaphore_mem>>) {add = true}
          %dma_wait3A = arith.constant 0 : i32
          %dma_wait3A_23 = tpu.memref_slice %arg7[%scan3A_13, %dma_wait3A] : memref<80x125xi32, #tpu.memory_space<vmem>> -> memref<1x125xi32, #tpu.memory_space<vmem>>
          %dma_wait3A_24 = tpu.memref_squeeze %dma_wait3A_23 : memref<1x125xi32, #tpu.memory_space<vmem>> -> memref<125xi32, #tpu.memory_space<vmem>>
          %dma_wait3A_25 = arith.constant 0 : i32
          %dma_wait3A_26 = arith.constant 0 : i32
          %dma_wait3A_27 = tpu.memref_slice %arg10[%dma_wait3A_25, %dma_wait3A_26] : memref<10240x128xf32, #tpu.memory_space<vmem_shared>> -> memref<10240x128xf32, #tpu.memory_space<vmem_shared>>
          tpu.wait_indirect_dma semaphore(%run_scoped3A : memref<!tpu.dma_semaphore, #tpu.memory_space<semaphore_mem>>) src(%arg9 : memref<125x128xf32, #tpu.memory_space<vmem>>) dst(%dma_wait3A_27 : memref<10240x128xf32, #tpu.memory_space<vmem_shared>>)
          tpu.yield
        }) : () -> ()
      } else {
      }
    }
    %scan3A_7 = arith.constant 80 : i32
    %barrier3A_8 = arith.constant 0 : index
    tpu.barrier barrier_id(%barrier3A_8)
    %mul3A_9 = arith.constant 640 : i32
    %mul3A_10 = arith.muli %arg1, %mul3A_9 : i32
    %mul3A_11 = arith.constant 640 : i32
    %mul3A_12 = arith.muli %arg1, %mul3A_11 : i32
    "tpu.region"() ({
      %run_scoped3A = tpu.sem_alloc : memref<!tpu.dma_semaphore, #tpu.memory_space<semaphore_mem>>
      %dma_start3A = arith.constant 0 : i32
      %dma_start3A_13 = tpu.memref_slice %arg6[%arg0, %mul3A_12, %dma_start3A] : memref<2x10240x128xf32, #tpu.memory_space<hbm>> -> memref<1x640x128xf32, #tpu.memory_space<hbm>>
      %dma_start3A_14 = tpu.memref_squeeze %dma_start3A_13 : memref<1x640x128xf32, #tpu.memory_space<hbm>> -> memref<640x128xf32, #tpu.memory_space<hbm>>
      %dma_start3A_15 = arith.constant 0 : i32
      %dma_start3A_16 = tpu.memref_slice %arg10[%mul3A_10, %dma_start3A_15] : memref<10240x128xf32, #tpu.memory_space<vmem_shared>> -> memref<640x128xf32, #tpu.memory_space<vmem_shared>>
      tpu.enqueue_dma source(%dma_start3A_16 : memref<640x128xf32, #tpu.memory_space<vmem_shared>>) target(%dma_start3A_14 : memref<640x128xf32, #tpu.memory_space<hbm>>) target_semaphore(%run_scoped3A : memref<!tpu.dma_semaphore, #tpu.memory_space<semaphore_mem>>)
      %dma_wait3A = arith.constant 0 : i32
      %dma_wait3A_17 = tpu.memref_slice %arg6[%arg0, %mul3A_12, %dma_wait3A] : memref<2x10240x128xf32, #tpu.memory_space<hbm>> -> memref<1x640x128xf32, #tpu.memory_space<hbm>>
      %dma_wait3A_18 = tpu.memref_squeeze %dma_wait3A_17 : memref<1x640x128xf32, #tpu.memory_space<hbm>> -> memref<640x128xf32, #tpu.memory_space<hbm>>
      %dma_wait3A_19 = arith.constant 0 : i32
      %dma_wait3A_20 = tpu.memref_slice %arg10[%mul3A_10, %dma_wait3A_19] : memref<10240x128xf32, #tpu.memory_space<vmem_shared>> -> memref<640x128xf32, #tpu.memory_space<vmem_shared>>
      tpu.wait_dma2 semaphore(%run_scoped3A : memref<!tpu.dma_semaphore, #tpu.memory_space<semaphore_mem>>) src(%dma_wait3A_20 : memref<640x128xf32, #tpu.memory_space<vmem_shared>>) dst(%dma_wait3A_18 : memref<640x128xf32, #tpu.memory_space<hbm>>)
      tpu.yield
    }) : () -> ()
    return
  }
}

module attributes {stable_mosaic.version = 14 : i64} {
  func.func @_tf_body(%arg0: i32, %arg1: memref<1x1000x128xf32, #tpu.memory_space<vmem>>, %arg2: memref<1000x16xf32, #tpu.memory_space<vmem>>, %arg3: memref<128x64xf32, #tpu.memory_space<vmem>>, %arg4: memref<1024x128xbf16, #tpu.memory_space<vmem>>, %arg5: memref<1000x128xf32, #tpu.memory_space<vmem>>) attributes {dimension_semantics = [#tpu.dimension_semantics<arbitrary>], iteration_bounds = array<i64: 10>, scalar_prefetch = 0 : i64, scratch_operands = 0 : i64, tpu.core_type = #tpu.core_type<tc>, window_params = [{transform_indices = @transform_0, window_bounds = array<i64: 1, 1000, 128>}, {transform_indices = @transform_1, window_bounds = array<i64: 1000, 16>}, {pipeline_mode = #tpu.pipeline_mode<synchronous>, transform_indices = @transform_2, window_bounds = array<i64: 128, 64>}, {pipeline_mode = #tpu.pipeline_mode<synchronous>, transform_indices = @transform_3, window_bounds = array<i64: 1024, 128>}, {transform_indices = @transform_4, window_bounds = array<i64: 1000, 128>}]} {
    %get3A = arith.constant 0 : index
    %get3A_0 = arith.constant 0 : index
    %get3A_1 = arith.constant 0 : index
    %get3A_2 = vector.load %arg1[%get3A, %get3A_0, %get3A_1] : memref<1x1000x128xf32, #tpu.memory_space<vmem>>, vector<1x1000x128xf32>
    %get3A_3 = vector.shape_cast %get3A_2 : vector<1x1000x128xf32> to vector<1000x128xf32>
    %get3A_4 = arith.constant 0 : index
    %get3A_5 = arith.constant 0 : index
    %get3A_6 = vector.load %arg3[%get3A_4, %get3A_5] : memref<128x64xf32, #tpu.memory_space<vmem>>, vector<128x64xf32>
    %dot_general3A = arith.constant dense<0.000000e+00> : vector<1000x64xf32>
    %dot_general3A_7 = tpu.matmul %get3A_3, %get3A_6, %dot_general3A {dimension_numbers = #tpu.dot_dimension_numbers<[1], [0], [0], [1], [0, 0, 1, 1], [], []>, transpose_lhs_hint = false} : vector<1000x128xf32>, vector<128x64xf32>, vector<1000x64xf32> -> vector<1000x64xf32>
    %get3A_8 = arith.constant 0 : index
    %get3A_9 = arith.constant 0 : index
    %get3A_10 = vector.load %arg2[%get3A_8, %get3A_9] : memref<1000x16xf32, #tpu.memory_space<vmem>>, vector<1000x1xf32>
    %mul3A = vector.broadcast %get3A_10 : vector<1000x1xf32> to vector<1000x64xf32>
    %mul3A_11 = arith.mulf %dot_general3A_7, %mul3A : vector<1000x64xf32>
    %convert_element_type3A = arith.truncf %mul3A_11 : vector<1000x64xf32> to vector<1000x64xbf16>
    %get3A_12 = arith.constant 0 : index
    %get3A_13 = arith.constant 0 : index
    %get3A_14 = vector.load %arg4[%get3A_12, %get3A_13] : memref<1024x128xbf16, #tpu.memory_space<vmem>>, vector<64x128xbf16>
    %dot_general3A_15 = arith.constant dense<0.000000e+00> : vector<1000x128xf32>
    %dot_general3A_16 = tpu.matmul %convert_element_type3A, %get3A_14, %dot_general3A_15 {dimension_numbers = #tpu.dot_dimension_numbers<[1], [0], [0], [1], [0, 0, 1, 1], [], []>, transpose_lhs_hint = false} : vector<1000x64xbf16>, vector<64x128xbf16>, vector<1000x128xf32> -> vector<1000x128xf32>
    %get3A_17 = arith.constant 0 : index
    %get3A_18 = arith.constant 1 : index
    %get3A_19 = vector.load %arg2[%get3A_17, %get3A_18] : memref<1000x16xf32, #tpu.memory_space<vmem>>, vector<1000x1xf32>
    %mul3A_20 = vector.broadcast %get3A_19 : vector<1000x1xf32> to vector<1000x64xf32>
    %mul3A_21 = arith.mulf %dot_general3A_7, %mul3A_20 : vector<1000x64xf32>
    %convert_element_type3A_22 = arith.truncf %mul3A_21 : vector<1000x64xf32> to vector<1000x64xbf16>
    %get3A_23 = arith.constant 64 : index
    %get3A_24 = arith.constant 0 : index
    %get3A_25 = vector.load %arg4[%get3A_23, %get3A_24] : memref<1024x128xbf16, #tpu.memory_space<vmem>>, vector<64x128xbf16>
    %dot_general3A_26 = arith.constant dense<0.000000e+00> : vector<1000x128xf32>
    %dot_general3A_27 = tpu.matmul %convert_element_type3A_22, %get3A_25, %dot_general3A_26 {dimension_numbers = #tpu.dot_dimension_numbers<[1], [0], [0], [1], [0, 0, 1, 1], [], []>, transpose_lhs_hint = false} : vector<1000x64xbf16>, vector<64x128xbf16>, vector<1000x128xf32> -> vector<1000x128xf32>
    %add3A = arith.addf %dot_general3A_16, %dot_general3A_27 : vector<1000x128xf32>
    %get3A_28 = arith.constant 0 : index
    %get3A_29 = arith.constant 2 : index
    %get3A_30 = vector.load %arg2[%get3A_28, %get3A_29] : memref<1000x16xf32, #tpu.memory_space<vmem>>, vector<1000x1xf32>
    %mul3A_31 = vector.broadcast %get3A_30 : vector<1000x1xf32> to vector<1000x64xf32>
    %mul3A_32 = arith.mulf %dot_general3A_7, %mul3A_31 : vector<1000x64xf32>
    %convert_element_type3A_33 = arith.truncf %mul3A_32 : vector<1000x64xf32> to vector<1000x64xbf16>
    %get3A_34 = arith.constant 128 : index
    %get3A_35 = arith.constant 0 : index
    %get3A_36 = vector.load %arg4[%get3A_34, %get3A_35] : memref<1024x128xbf16, #tpu.memory_space<vmem>>, vector<64x128xbf16>
    %dot_general3A_37 = arith.constant dense<0.000000e+00> : vector<1000x128xf32>
    %dot_general3A_38 = tpu.matmul %convert_element_type3A_33, %get3A_36, %dot_general3A_37 {dimension_numbers = #tpu.dot_dimension_numbers<[1], [0], [0], [1], [0, 0, 1, 1], [], []>, transpose_lhs_hint = false} : vector<1000x64xbf16>, vector<64x128xbf16>, vector<1000x128xf32> -> vector<1000x128xf32>
    %add3A_39 = arith.addf %add3A, %dot_general3A_38 : vector<1000x128xf32>
    %get3A_40 = arith.constant 0 : index
    %get3A_41 = arith.constant 3 : index
    %get3A_42 = vector.load %arg2[%get3A_40, %get3A_41] : memref<1000x16xf32, #tpu.memory_space<vmem>>, vector<1000x1xf32>
    %mul3A_43 = vector.broadcast %get3A_42 : vector<1000x1xf32> to vector<1000x64xf32>
    %mul3A_44 = arith.mulf %dot_general3A_7, %mul3A_43 : vector<1000x64xf32>
    %convert_element_type3A_45 = arith.truncf %mul3A_44 : vector<1000x64xf32> to vector<1000x64xbf16>
    %get3A_46 = arith.constant 192 : index
    %get3A_47 = arith.constant 0 : index
    %get3A_48 = vector.load %arg4[%get3A_46, %get3A_47] : memref<1024x128xbf16, #tpu.memory_space<vmem>>, vector<64x128xbf16>
    %dot_general3A_49 = arith.constant dense<0.000000e+00> : vector<1000x128xf32>
    %dot_general3A_50 = tpu.matmul %convert_element_type3A_45, %get3A_48, %dot_general3A_49 {dimension_numbers = #tpu.dot_dimension_numbers<[1], [0], [0], [1], [0, 0, 1, 1], [], []>, transpose_lhs_hint = false} : vector<1000x64xbf16>, vector<64x128xbf16>, vector<1000x128xf32> -> vector<1000x128xf32>
    %add3A_51 = arith.addf %add3A_39, %dot_general3A_50 : vector<1000x128xf32>
    %get3A_52 = arith.constant 0 : index
    %get3A_53 = arith.constant 4 : index
    %get3A_54 = vector.load %arg2[%get3A_52, %get3A_53] : memref<1000x16xf32, #tpu.memory_space<vmem>>, vector<1000x1xf32>
    %mul3A_55 = vector.broadcast %get3A_54 : vector<1000x1xf32> to vector<1000x64xf32>
    %mul3A_56 = arith.mulf %dot_general3A_7, %mul3A_55 : vector<1000x64xf32>
    %convert_element_type3A_57 = arith.truncf %mul3A_56 : vector<1000x64xf32> to vector<1000x64xbf16>
    %get3A_58 = arith.constant 256 : index
    %get3A_59 = arith.constant 0 : index
    %get3A_60 = vector.load %arg4[%get3A_58, %get3A_59] : memref<1024x128xbf16, #tpu.memory_space<vmem>>, vector<64x128xbf16>
    %dot_general3A_61 = arith.constant dense<0.000000e+00> : vector<1000x128xf32>
    %dot_general3A_62 = tpu.matmul %convert_element_type3A_57, %get3A_60, %dot_general3A_61 {dimension_numbers = #tpu.dot_dimension_numbers<[1], [0], [0], [1], [0, 0, 1, 1], [], []>, transpose_lhs_hint = false} : vector<1000x64xbf16>, vector<64x128xbf16>, vector<1000x128xf32> -> vector<1000x128xf32>
    %add3A_63 = arith.addf %add3A_51, %dot_general3A_62 : vector<1000x128xf32>
    %get3A_64 = arith.constant 0 : index
    %get3A_65 = arith.constant 5 : index
    %get3A_66 = vector.load %arg2[%get3A_64, %get3A_65] : memref<1000x16xf32, #tpu.memory_space<vmem>>, vector<1000x1xf32>
    %mul3A_67 = vector.broadcast %get3A_66 : vector<1000x1xf32> to vector<1000x64xf32>
    %mul3A_68 = arith.mulf %dot_general3A_7, %mul3A_67 : vector<1000x64xf32>
    %convert_element_type3A_69 = arith.truncf %mul3A_68 : vector<1000x64xf32> to vector<1000x64xbf16>
    %get3A_70 = arith.constant 320 : index
    %get3A_71 = arith.constant 0 : index
    %get3A_72 = vector.load %arg4[%get3A_70, %get3A_71] : memref<1024x128xbf16, #tpu.memory_space<vmem>>, vector<64x128xbf16>
    %dot_general3A_73 = arith.constant dense<0.000000e+00> : vector<1000x128xf32>
    %dot_general3A_74 = tpu.matmul %convert_element_type3A_69, %get3A_72, %dot_general3A_73 {dimension_numbers = #tpu.dot_dimension_numbers<[1], [0], [0], [1], [0, 0, 1, 1], [], []>, transpose_lhs_hint = false} : vector<1000x64xbf16>, vector<64x128xbf16>, vector<1000x128xf32> -> vector<1000x128xf32>
    %add3A_75 = arith.addf %add3A_63, %dot_general3A_74 : vector<1000x128xf32>
    %get3A_76 = arith.constant 0 : index
    %get3A_77 = arith.constant 6 : index
    %get3A_78 = vector.load %arg2[%get3A_76, %get3A_77] : memref<1000x16xf32, #tpu.memory_space<vmem>>, vector<1000x1xf32>
    %mul3A_79 = vector.broadcast %get3A_78 : vector<1000x1xf32> to vector<1000x64xf32>
    %mul3A_80 = arith.mulf %dot_general3A_7, %mul3A_79 : vector<1000x64xf32>
    %convert_element_type3A_81 = arith.truncf %mul3A_80 : vector<1000x64xf32> to vector<1000x64xbf16>
    %get3A_82 = arith.constant 384 : index
    %get3A_83 = arith.constant 0 : index
    %get3A_84 = vector.load %arg4[%get3A_82, %get3A_83] : memref<1024x128xbf16, #tpu.memory_space<vmem>>, vector<64x128xbf16>
    %dot_general3A_85 = arith.constant dense<0.000000e+00> : vector<1000x128xf32>
    %dot_general3A_86 = tpu.matmul %convert_element_type3A_81, %get3A_84, %dot_general3A_85 {dimension_numbers = #tpu.dot_dimension_numbers<[1], [0], [0], [1], [0, 0, 1, 1], [], []>, transpose_lhs_hint = false} : vector<1000x64xbf16>, vector<64x128xbf16>, vector<1000x128xf32> -> vector<1000x128xf32>
    %add3A_87 = arith.addf %add3A_75, %dot_general3A_86 : vector<1000x128xf32>
    %get3A_88 = arith.constant 0 : index
    %get3A_89 = arith.constant 7 : index
    %get3A_90 = vector.load %arg2[%get3A_88, %get3A_89] : memref<1000x16xf32, #tpu.memory_space<vmem>>, vector<1000x1xf32>
    %mul3A_91 = vector.broadcast %get3A_90 : vector<1000x1xf32> to vector<1000x64xf32>
    %mul3A_92 = arith.mulf %dot_general3A_7, %mul3A_91 : vector<1000x64xf32>
    %convert_element_type3A_93 = arith.truncf %mul3A_92 : vector<1000x64xf32> to vector<1000x64xbf16>
    %get3A_94 = arith.constant 448 : index
    %get3A_95 = arith.constant 0 : index
    %get3A_96 = vector.load %arg4[%get3A_94, %get3A_95] : memref<1024x128xbf16, #tpu.memory_space<vmem>>, vector<64x128xbf16>
    %dot_general3A_97 = arith.constant dense<0.000000e+00> : vector<1000x128xf32>
    %dot_general3A_98 = tpu.matmul %convert_element_type3A_93, %get3A_96, %dot_general3A_97 {dimension_numbers = #tpu.dot_dimension_numbers<[1], [0], [0], [1], [0, 0, 1, 1], [], []>, transpose_lhs_hint = false} : vector<1000x64xbf16>, vector<64x128xbf16>, vector<1000x128xf32> -> vector<1000x128xf32>
    %add3A_99 = arith.addf %add3A_87, %dot_general3A_98 : vector<1000x128xf32>
    %get3A_100 = arith.constant 0 : index
    %get3A_101 = arith.constant 8 : index
    %get3A_102 = vector.load %arg2[%get3A_100, %get3A_101] : memref<1000x16xf32, #tpu.memory_space<vmem>>, vector<1000x1xf32>
    %mul3A_103 = vector.broadcast %get3A_102 : vector<1000x1xf32> to vector<1000x64xf32>
    %mul3A_104 = arith.mulf %dot_general3A_7, %mul3A_103 : vector<1000x64xf32>
    %convert_element_type3A_105 = arith.truncf %mul3A_104 : vector<1000x64xf32> to vector<1000x64xbf16>
    %get3A_106 = arith.constant 512 : index
    %get3A_107 = arith.constant 0 : index
    %get3A_108 = vector.load %arg4[%get3A_106, %get3A_107] : memref<1024x128xbf16, #tpu.memory_space<vmem>>, vector<64x128xbf16>
    %dot_general3A_109 = arith.constant dense<0.000000e+00> : vector<1000x128xf32>
    %dot_general3A_110 = tpu.matmul %convert_element_type3A_105, %get3A_108, %dot_general3A_109 {dimension_numbers = #tpu.dot_dimension_numbers<[1], [0], [0], [1], [0, 0, 1, 1], [], []>, transpose_lhs_hint = false} : vector<1000x64xbf16>, vector<64x128xbf16>, vector<1000x128xf32> -> vector<1000x128xf32>
    %add3A_111 = arith.addf %add3A_99, %dot_general3A_110 : vector<1000x128xf32>
    %get3A_112 = arith.constant 0 : index
    %get3A_113 = arith.constant 9 : index
    %get3A_114 = vector.load %arg2[%get3A_112, %get3A_113] : memref<1000x16xf32, #tpu.memory_space<vmem>>, vector<1000x1xf32>
    %mul3A_115 = vector.broadcast %get3A_114 : vector<1000x1xf32> to vector<1000x64xf32>
    %mul3A_116 = arith.mulf %dot_general3A_7, %mul3A_115 : vector<1000x64xf32>
    %convert_element_type3A_117 = arith.truncf %mul3A_116 : vector<1000x64xf32> to vector<1000x64xbf16>
    %get3A_118 = arith.constant 576 : index
    %get3A_119 = arith.constant 0 : index
    %get3A_120 = vector.load %arg4[%get3A_118, %get3A_119] : memref<1024x128xbf16, #tpu.memory_space<vmem>>, vector<64x128xbf16>
    %dot_general3A_121 = arith.constant dense<0.000000e+00> : vector<1000x128xf32>
    %dot_general3A_122 = tpu.matmul %convert_element_type3A_117, %get3A_120, %dot_general3A_121 {dimension_numbers = #tpu.dot_dimension_numbers<[1], [0], [0], [1], [0, 0, 1, 1], [], []>, transpose_lhs_hint = false} : vector<1000x64xbf16>, vector<64x128xbf16>, vector<1000x128xf32> -> vector<1000x128xf32>
    %add3A_123 = arith.addf %add3A_111, %dot_general3A_122 : vector<1000x128xf32>
    %get3A_124 = arith.constant 0 : index
    %get3A_125 = arith.constant 10 : index
    %get3A_126 = vector.load %arg2[%get3A_124, %get3A_125] : memref<1000x16xf32, #tpu.memory_space<vmem>>, vector<1000x1xf32>
    %mul3A_127 = vector.broadcast %get3A_126 : vector<1000x1xf32> to vector<1000x64xf32>
    %mul3A_128 = arith.mulf %dot_general3A_7, %mul3A_127 : vector<1000x64xf32>
    %convert_element_type3A_129 = arith.truncf %mul3A_128 : vector<1000x64xf32> to vector<1000x64xbf16>
    %get3A_130 = arith.constant 640 : index
    %get3A_131 = arith.constant 0 : index
    %get3A_132 = vector.load %arg4[%get3A_130, %get3A_131] : memref<1024x128xbf16, #tpu.memory_space<vmem>>, vector<64x128xbf16>
    %dot_general3A_133 = arith.constant dense<0.000000e+00> : vector<1000x128xf32>
    %dot_general3A_134 = tpu.matmul %convert_element_type3A_129, %get3A_132, %dot_general3A_133 {dimension_numbers = #tpu.dot_dimension_numbers<[1], [0], [0], [1], [0, 0, 1, 1], [], []>, transpose_lhs_hint = false} : vector<1000x64xbf16>, vector<64x128xbf16>, vector<1000x128xf32> -> vector<1000x128xf32>
    %add3A_135 = arith.addf %add3A_123, %dot_general3A_134 : vector<1000x128xf32>
    %get3A_136 = arith.constant 0 : index
    %get3A_137 = arith.constant 11 : index
    %get3A_138 = vector.load %arg2[%get3A_136, %get3A_137] : memref<1000x16xf32, #tpu.memory_space<vmem>>, vector<1000x1xf32>
    %mul3A_139 = vector.broadcast %get3A_138 : vector<1000x1xf32> to vector<1000x64xf32>
    %mul3A_140 = arith.mulf %dot_general3A_7, %mul3A_139 : vector<1000x64xf32>
    %convert_element_type3A_141 = arith.truncf %mul3A_140 : vector<1000x64xf32> to vector<1000x64xbf16>
    %get3A_142 = arith.constant 704 : index
    %get3A_143 = arith.constant 0 : index
    %get3A_144 = vector.load %arg4[%get3A_142, %get3A_143] : memref<1024x128xbf16, #tpu.memory_space<vmem>>, vector<64x128xbf16>
    %dot_general3A_145 = arith.constant dense<0.000000e+00> : vector<1000x128xf32>
    %dot_general3A_146 = tpu.matmul %convert_element_type3A_141, %get3A_144, %dot_general3A_145 {dimension_numbers = #tpu.dot_dimension_numbers<[1], [0], [0], [1], [0, 0, 1, 1], [], []>, transpose_lhs_hint = false} : vector<1000x64xbf16>, vector<64x128xbf16>, vector<1000x128xf32> -> vector<1000x128xf32>
    %add3A_147 = arith.addf %add3A_135, %dot_general3A_146 : vector<1000x128xf32>
    %get3A_148 = arith.constant 0 : index
    %get3A_149 = arith.constant 12 : index
    %get3A_150 = vector.load %arg2[%get3A_148, %get3A_149] : memref<1000x16xf32, #tpu.memory_space<vmem>>, vector<1000x1xf32>
    %mul3A_151 = vector.broadcast %get3A_150 : vector<1000x1xf32> to vector<1000x64xf32>
    %mul3A_152 = arith.mulf %dot_general3A_7, %mul3A_151 : vector<1000x64xf32>
    %convert_element_type3A_153 = arith.truncf %mul3A_152 : vector<1000x64xf32> to vector<1000x64xbf16>
    %get3A_154 = arith.constant 768 : index
    %get3A_155 = arith.constant 0 : index
    %get3A_156 = vector.load %arg4[%get3A_154, %get3A_155] : memref<1024x128xbf16, #tpu.memory_space<vmem>>, vector<64x128xbf16>
    %dot_general3A_157 = arith.constant dense<0.000000e+00> : vector<1000x128xf32>
    %dot_general3A_158 = tpu.matmul %convert_element_type3A_153, %get3A_156, %dot_general3A_157 {dimension_numbers = #tpu.dot_dimension_numbers<[1], [0], [0], [1], [0, 0, 1, 1], [], []>, transpose_lhs_hint = false} : vector<1000x64xbf16>, vector<64x128xbf16>, vector<1000x128xf32> -> vector<1000x128xf32>
    %add3A_159 = arith.addf %add3A_147, %dot_general3A_158 : vector<1000x128xf32>
    %get3A_160 = arith.constant 0 : index
    %get3A_161 = arith.constant 13 : index
    %get3A_162 = vector.load %arg2[%get3A_160, %get3A_161] : memref<1000x16xf32, #tpu.memory_space<vmem>>, vector<1000x1xf32>
    %mul3A_163 = vector.broadcast %get3A_162 : vector<1000x1xf32> to vector<1000x64xf32>
    %mul3A_164 = arith.mulf %dot_general3A_7, %mul3A_163 : vector<1000x64xf32>
    %convert_element_type3A_165 = arith.truncf %mul3A_164 : vector<1000x64xf32> to vector<1000x64xbf16>
    %get3A_166 = arith.constant 832 : index
    %get3A_167 = arith.constant 0 : index
    %get3A_168 = vector.load %arg4[%get3A_166, %get3A_167] : memref<1024x128xbf16, #tpu.memory_space<vmem>>, vector<64x128xbf16>
    %dot_general3A_169 = arith.constant dense<0.000000e+00> : vector<1000x128xf32>
    %dot_general3A_170 = tpu.matmul %convert_element_type3A_165, %get3A_168, %dot_general3A_169 {dimension_numbers = #tpu.dot_dimension_numbers<[1], [0], [0], [1], [0, 0, 1, 1], [], []>, transpose_lhs_hint = false} : vector<1000x64xbf16>, vector<64x128xbf16>, vector<1000x128xf32> -> vector<1000x128xf32>
    %add3A_171 = arith.addf %add3A_159, %dot_general3A_170 : vector<1000x128xf32>
    %get3A_172 = arith.constant 0 : index
    %get3A_173 = arith.constant 14 : index
    %get3A_174 = vector.load %arg2[%get3A_172, %get3A_173] : memref<1000x16xf32, #tpu.memory_space<vmem>>, vector<1000x1xf32>
    %mul3A_175 = vector.broadcast %get3A_174 : vector<1000x1xf32> to vector<1000x64xf32>
    %mul3A_176 = arith.mulf %dot_general3A_7, %mul3A_175 : vector<1000x64xf32>
    %convert_element_type3A_177 = arith.truncf %mul3A_176 : vector<1000x64xf32> to vector<1000x64xbf16>
    %get3A_178 = arith.constant 896 : index
    %get3A_179 = arith.constant 0 : index
    %get3A_180 = vector.load %arg4[%get3A_178, %get3A_179] : memref<1024x128xbf16, #tpu.memory_space<vmem>>, vector<64x128xbf16>
    %dot_general3A_181 = arith.constant dense<0.000000e+00> : vector<1000x128xf32>
    %dot_general3A_182 = tpu.matmul %convert_element_type3A_177, %get3A_180, %dot_general3A_181 {dimension_numbers = #tpu.dot_dimension_numbers<[1], [0], [0], [1], [0, 0, 1, 1], [], []>, transpose_lhs_hint = false} : vector<1000x64xbf16>, vector<64x128xbf16>, vector<1000x128xf32> -> vector<1000x128xf32>
    %add3A_183 = arith.addf %add3A_171, %dot_general3A_182 : vector<1000x128xf32>
    %get3A_184 = arith.constant 0 : index
    %get3A_185 = arith.constant 15 : index
    %get3A_186 = vector.load %arg2[%get3A_184, %get3A_185] : memref<1000x16xf32, #tpu.memory_space<vmem>>, vector<1000x1xf32>
    %mul3A_187 = vector.broadcast %get3A_186 : vector<1000x1xf32> to vector<1000x64xf32>
    %mul3A_188 = arith.mulf %dot_general3A_7, %mul3A_187 : vector<1000x64xf32>
    %convert_element_type3A_189 = arith.truncf %mul3A_188 : vector<1000x64xf32> to vector<1000x64xbf16>
    %get3A_190 = arith.constant 960 : index
    %get3A_191 = arith.constant 0 : index
    %get3A_192 = vector.load %arg4[%get3A_190, %get3A_191] : memref<1024x128xbf16, #tpu.memory_space<vmem>>, vector<64x128xbf16>
    %dot_general3A_193 = arith.constant dense<0.000000e+00> : vector<1000x128xf32>
    %dot_general3A_194 = tpu.matmul %convert_element_type3A_189, %get3A_192, %dot_general3A_193 {dimension_numbers = #tpu.dot_dimension_numbers<[1], [0], [0], [1], [0, 0, 1, 1], [], []>, transpose_lhs_hint = false} : vector<1000x64xbf16>, vector<64x128xbf16>, vector<1000x128xf32> -> vector<1000x128xf32>
    %add3A_195 = arith.addf %add3A_183, %dot_general3A_194 : vector<1000x128xf32>
    %swap3A = arith.constant 0 : index
    %swap3A_196 = arith.constant 0 : index
    %swap3A_197 = vector.load %arg5[%swap3A, %swap3A_196] : memref<1000x128xf32, #tpu.memory_space<vmem>>, vector<1000x128xf32>
    tpu.vector_store %arg5[%swap3A, %swap3A_196], %add3A_195 {strides = array<i32>} : memref<1000x128xf32, #tpu.memory_space<vmem>>, vector<1000x128xf32>,
    return
  }
  func.func @transform_0(%arg0: i32) -> (i32, i32, i32) {
    %c0_i32 = arith.constant 0 : i32
    %c0_i32_0 = arith.constant 0 : i32
    %c0_i32_1 = arith.constant 0 : i32
    return %c0_i32, %arg0, %c0_i32_0 : i32, i32, i32
  }
  func.func @transform_1(%arg0: i32) -> (i32, i32) {
    %c0_i32 = arith.constant 0 : i32
    %c0_i32_0 = arith.constant 0 : i32
    return %arg0, %c0_i32 : i32, i32
  }
  func.func @transform_2(%arg0: i32) -> (i32, i32) {
    %c0_i32 = arith.constant 0 : i32
    %c0_i32_0 = arith.constant 0 : i32
    %c0_i32_1 = arith.constant 0 : i32
    return %c0_i32, %c0_i32_0 : i32, i32
  }
  func.func @transform_3(%arg0: i32) -> (i32, i32) {
    %c0_i32 = arith.constant 0 : i32
    %c0_i32_0 = arith.constant 0 : i32
    %c0_i32_1 = arith.constant 0 : i32
    return %c0_i32, %c0_i32_0 : i32, i32
  }
  func.func @transform_4(%arg0: i32) -> (i32, i32) {
    %c0_i32 = arith.constant 0 : i32
    %c0_i32_0 = arith.constant 0 : i32
    return %arg0, %c0_i32 : i32, i32
  }
}

module attributes {stable_mosaic.version = 14 : i64} {
  func.func @_tf_body(%arg0: i32, %arg1: memref<2x1000x128xf32, #tpu.memory_space<vmem>>, %arg2: memref<1000x16xf32, #tpu.memory_space<vmem>>, %arg3: memref<128x64xf32, #tpu.memory_space<vmem>>, %arg4: memref<1024x128xbf16, #tpu.memory_space<vmem>>, %arg5: memref<1000x128xf32, #tpu.memory_space<vmem>>) attributes {dimension_semantics = [#tpu.dimension_semantics<arbitrary>], iteration_bounds = array<i64: 10>, scalar_prefetch = 0 : i64, scratch_operands = 0 : i64, tpu.core_type = #tpu.core_type<tc>, window_params = [{transform_indices = @transform_0, window_bounds = array<i64: 2, 1000, 128>}, {transform_indices = @transform_1, window_bounds = array<i64: 1000, 16>}, {pipeline_mode = #tpu.pipeline_mode<synchronous>, transform_indices = @transform_2, window_bounds = array<i64: 128, 64>}, {pipeline_mode = #tpu.pipeline_mode<synchronous>, transform_indices = @transform_3, window_bounds = array<i64: 1024, 128>}, {transform_indices = @transform_4, window_bounds = array<i64: 1000, 128>}]} {
    %get3A = arith.constant 0 : index
    %get3A_0 = arith.constant 0 : index
    %get3A_1 = arith.constant 0 : index
    %get3A_2 = vector.load %arg1[%get3A, %get3A_0, %get3A_1] : memref<2x1000x128xf32, #tpu.memory_space<vmem>>, vector<1x1000x128xf32>
    %get3A_3 = vector.shape_cast %get3A_2 : vector<1x1000x128xf32> to vector<1000x128xf32>
    %get3A_4 = arith.constant 1 : index
    %get3A_5 = arith.constant 0 : index
    %get3A_6 = arith.constant 0 : index
    %get3A_7 = vector.load %arg1[%get3A_4, %get3A_5, %get3A_6] : memref<2x1000x128xf32, #tpu.memory_space<vmem>>, vector<1x1000x128xf32>
    %get3A_8 = vector.shape_cast %get3A_7 : vector<1x1000x128xf32> to vector<1000x128xf32>
    %add3A = arith.addf %get3A_3, %get3A_8 : vector<1000x128xf32>
    %max3A = arith.constant 0.000000e+00 : f32
    %max3A_9 = vector.broadcast %max3A : f32 to vector<1000x128xf32>
    %max3A_10 = arith.maximumf %add3A, %max3A_9 : vector<1000x128xf32>
    %get3A_11 = arith.constant 0 : index
    %get3A_12 = arith.constant 0 : index
    %get3A_13 = vector.load %arg3[%get3A_11, %get3A_12] : memref<128x64xf32, #tpu.memory_space<vmem>>, vector<128x64xf32>
    %dot_general3A = arith.constant dense<0.000000e+00> : vector<1000x64xf32>
    %dot_general3A_14 = tpu.matmul %max3A_10, %get3A_13, %dot_general3A {dimension_numbers = #tpu.dot_dimension_numbers<[1], [0], [0], [1], [0, 0, 1, 1], [], []>, transpose_lhs_hint = false} : vector<1000x128xf32>, vector<128x64xf32>, vector<1000x64xf32> -> vector<1000x64xf32>
    %get3A_15 = arith.constant 0 : index
    %get3A_16 = arith.constant 0 : index
    %get3A_17 = vector.load %arg2[%get3A_15, %get3A_16] : memref<1000x16xf32, #tpu.memory_space<vmem>>, vector<1000x1xf32>
    %mul3A = vector.broadcast %get3A_17 : vector<1000x1xf32> to vector<1000x64xf32>
    %mul3A_18 = arith.mulf %dot_general3A_14, %mul3A : vector<1000x64xf32>
    %convert_element_type3A = arith.truncf %mul3A_18 : vector<1000x64xf32> to vector<1000x64xbf16>
    %get3A_19 = arith.constant 0 : index
    %get3A_20 = arith.constant 0 : index
    %get3A_21 = vector.load %arg4[%get3A_19, %get3A_20] : memref<1024x128xbf16, #tpu.memory_space<vmem>>, vector<64x128xbf16>
    %dot_general3A_22 = arith.constant dense<0.000000e+00> : vector<1000x128xf32>
    %dot_general3A_23 = tpu.matmul %convert_element_type3A, %get3A_21, %dot_general3A_22 {dimension_numbers = #tpu.dot_dimension_numbers<[1], [0], [0], [1], [0, 0, 1, 1], [], []>, transpose_lhs_hint = false} : vector<1000x64xbf16>, vector<64x128xbf16>, vector<1000x128xf32> -> vector<1000x128xf32>
    %get3A_24 = arith.constant 0 : index
    %get3A_25 = arith.constant 1 : index
    %get3A_26 = vector.load %arg2[%get3A_24, %get3A_25] : memref<1000x16xf32, #tpu.memory_space<vmem>>, vector<1000x1xf32>
    %mul3A_27 = vector.broadcast %get3A_26 : vector<1000x1xf32> to vector<1000x64xf32>
    %mul3A_28 = arith.mulf %dot_general3A_14, %mul3A_27 : vector<1000x64xf32>
    %convert_element_type3A_29 = arith.truncf %mul3A_28 : vector<1000x64xf32> to vector<1000x64xbf16>
    %get3A_30 = arith.constant 64 : index
    %get3A_31 = arith.constant 0 : index
    %get3A_32 = vector.load %arg4[%get3A_30, %get3A_31] : memref<1024x128xbf16, #tpu.memory_space<vmem>>, vector<64x128xbf16>
    %dot_general3A_33 = arith.constant dense<0.000000e+00> : vector<1000x128xf32>
    %dot_general3A_34 = tpu.matmul %convert_element_type3A_29, %get3A_32, %dot_general3A_33 {dimension_numbers = #tpu.dot_dimension_numbers<[1], [0], [0], [1], [0, 0, 1, 1], [], []>, transpose_lhs_hint = false} : vector<1000x64xbf16>, vector<64x128xbf16>, vector<1000x128xf32> -> vector<1000x128xf32>
    %add3A_35 = arith.addf %dot_general3A_23, %dot_general3A_34 : vector<1000x128xf32>
    %get3A_36 = arith.constant 0 : index
    %get3A_37 = arith.constant 2 : index
    %get3A_38 = vector.load %arg2[%get3A_36, %get3A_37] : memref<1000x16xf32, #tpu.memory_space<vmem>>, vector<1000x1xf32>
    %mul3A_39 = vector.broadcast %get3A_38 : vector<1000x1xf32> to vector<1000x64xf32>
    %mul3A_40 = arith.mulf %dot_general3A_14, %mul3A_39 : vector<1000x64xf32>
    %convert_element_type3A_41 = arith.truncf %mul3A_40 : vector<1000x64xf32> to vector<1000x64xbf16>
    %get3A_42 = arith.constant 128 : index
    %get3A_43 = arith.constant 0 : index
    %get3A_44 = vector.load %arg4[%get3A_42, %get3A_43] : memref<1024x128xbf16, #tpu.memory_space<vmem>>, vector<64x128xbf16>
    %dot_general3A_45 = arith.constant dense<0.000000e+00> : vector<1000x128xf32>
    %dot_general3A_46 = tpu.matmul %convert_element_type3A_41, %get3A_44, %dot_general3A_45 {dimension_numbers = #tpu.dot_dimension_numbers<[1], [0], [0], [1], [0, 0, 1, 1], [], []>, transpose_lhs_hint = false} : vector<1000x64xbf16>, vector<64x128xbf16>, vector<1000x128xf32> -> vector<1000x128xf32>
    %add3A_47 = arith.addf %add3A_35, %dot_general3A_46 : vector<1000x128xf32>
    %get3A_48 = arith.constant 0 : index
    %get3A_49 = arith.constant 3 : index
    %get3A_50 = vector.load %arg2[%get3A_48, %get3A_49] : memref<1000x16xf32, #tpu.memory_space<vmem>>, vector<1000x1xf32>
    %mul3A_51 = vector.broadcast %get3A_50 : vector<1000x1xf32> to vector<1000x64xf32>
    %mul3A_52 = arith.mulf %dot_general3A_14, %mul3A_51 : vector<1000x64xf32>
    %convert_element_type3A_53 = arith.truncf %mul3A_52 : vector<1000x64xf32> to vector<1000x64xbf16>
    %get3A_54 = arith.constant 192 : index
    %get3A_55 = arith.constant 0 : index
    %get3A_56 = vector.load %arg4[%get3A_54, %get3A_55] : memref<1024x128xbf16, #tpu.memory_space<vmem>>, vector<64x128xbf16>
    %dot_general3A_57 = arith.constant dense<0.000000e+00> : vector<1000x128xf32>
    %dot_general3A_58 = tpu.matmul %convert_element_type3A_53, %get3A_56, %dot_general3A_57 {dimension_numbers = #tpu.dot_dimension_numbers<[1], [0], [0], [1], [0, 0, 1, 1], [], []>, transpose_lhs_hint = false} : vector<1000x64xbf16>, vector<64x128xbf16>, vector<1000x128xf32> -> vector<1000x128xf32>
    %add3A_59 = arith.addf %add3A_47, %dot_general3A_58 : vector<1000x128xf32>
    %get3A_60 = arith.constant 0 : index
    %get3A_61 = arith.constant 4 : index
    %get3A_62 = vector.load %arg2[%get3A_60, %get3A_61] : memref<1000x16xf32, #tpu.memory_space<vmem>>, vector<1000x1xf32>
    %mul3A_63 = vector.broadcast %get3A_62 : vector<1000x1xf32> to vector<1000x64xf32>
    %mul3A_64 = arith.mulf %dot_general3A_14, %mul3A_63 : vector<1000x64xf32>
    %convert_element_type3A_65 = arith.truncf %mul3A_64 : vector<1000x64xf32> to vector<1000x64xbf16>
    %get3A_66 = arith.constant 256 : index
    %get3A_67 = arith.constant 0 : index
    %get3A_68 = vector.load %arg4[%get3A_66, %get3A_67] : memref<1024x128xbf16, #tpu.memory_space<vmem>>, vector<64x128xbf16>
    %dot_general3A_69 = arith.constant dense<0.000000e+00> : vector<1000x128xf32>
    %dot_general3A_70 = tpu.matmul %convert_element_type3A_65, %get3A_68, %dot_general3A_69 {dimension_numbers = #tpu.dot_dimension_numbers<[1], [0], [0], [1], [0, 0, 1, 1], [], []>, transpose_lhs_hint = false} : vector<1000x64xbf16>, vector<64x128xbf16>, vector<1000x128xf32> -> vector<1000x128xf32>
    %add3A_71 = arith.addf %add3A_59, %dot_general3A_70 : vector<1000x128xf32>
    %get3A_72 = arith.constant 0 : index
    %get3A_73 = arith.constant 5 : index
    %get3A_74 = vector.load %arg2[%get3A_72, %get3A_73] : memref<1000x16xf32, #tpu.memory_space<vmem>>, vector<1000x1xf32>
    %mul3A_75 = vector.broadcast %get3A_74 : vector<1000x1xf32> to vector<1000x64xf32>
    %mul3A_76 = arith.mulf %dot_general3A_14, %mul3A_75 : vector<1000x64xf32>
    %convert_element_type3A_77 = arith.truncf %mul3A_76 : vector<1000x64xf32> to vector<1000x64xbf16>
    %get3A_78 = arith.constant 320 : index
    %get3A_79 = arith.constant 0 : index
    %get3A_80 = vector.load %arg4[%get3A_78, %get3A_79] : memref<1024x128xbf16, #tpu.memory_space<vmem>>, vector<64x128xbf16>
    %dot_general3A_81 = arith.constant dense<0.000000e+00> : vector<1000x128xf32>
    %dot_general3A_82 = tpu.matmul %convert_element_type3A_77, %get3A_80, %dot_general3A_81 {dimension_numbers = #tpu.dot_dimension_numbers<[1], [0], [0], [1], [0, 0, 1, 1], [], []>, transpose_lhs_hint = false} : vector<1000x64xbf16>, vector<64x128xbf16>, vector<1000x128xf32> -> vector<1000x128xf32>
    %add3A_83 = arith.addf %add3A_71, %dot_general3A_82 : vector<1000x128xf32>
    %get3A_84 = arith.constant 0 : index
    %get3A_85 = arith.constant 6 : index
    %get3A_86 = vector.load %arg2[%get3A_84, %get3A_85] : memref<1000x16xf32, #tpu.memory_space<vmem>>, vector<1000x1xf32>
    %mul3A_87 = vector.broadcast %get3A_86 : vector<1000x1xf32> to vector<1000x64xf32>
    %mul3A_88 = arith.mulf %dot_general3A_14, %mul3A_87 : vector<1000x64xf32>
    %convert_element_type3A_89 = arith.truncf %mul3A_88 : vector<1000x64xf32> to vector<1000x64xbf16>
    %get3A_90 = arith.constant 384 : index
    %get3A_91 = arith.constant 0 : index
    %get3A_92 = vector.load %arg4[%get3A_90, %get3A_91] : memref<1024x128xbf16, #tpu.memory_space<vmem>>, vector<64x128xbf16>
    %dot_general3A_93 = arith.constant dense<0.000000e+00> : vector<1000x128xf32>
    %dot_general3A_94 = tpu.matmul %convert_element_type3A_89, %get3A_92, %dot_general3A_93 {dimension_numbers = #tpu.dot_dimension_numbers<[1], [0], [0], [1], [0, 0, 1, 1], [], []>, transpose_lhs_hint = false} : vector<1000x64xbf16>, vector<64x128xbf16>, vector<1000x128xf32> -> vector<1000x128xf32>
    %add3A_95 = arith.addf %add3A_83, %dot_general3A_94 : vector<1000x128xf32>
    %get3A_96 = arith.constant 0 : index
    %get3A_97 = arith.constant 7 : index
    %get3A_98 = vector.load %arg2[%get3A_96, %get3A_97] : memref<1000x16xf32, #tpu.memory_space<vmem>>, vector<1000x1xf32>
    %mul3A_99 = vector.broadcast %get3A_98 : vector<1000x1xf32> to vector<1000x64xf32>
    %mul3A_100 = arith.mulf %dot_general3A_14, %mul3A_99 : vector<1000x64xf32>
    %convert_element_type3A_101 = arith.truncf %mul3A_100 : vector<1000x64xf32> to vector<1000x64xbf16>
    %get3A_102 = arith.constant 448 : index
    %get3A_103 = arith.constant 0 : index
    %get3A_104 = vector.load %arg4[%get3A_102, %get3A_103] : memref<1024x128xbf16, #tpu.memory_space<vmem>>, vector<64x128xbf16>
    %dot_general3A_105 = arith.constant dense<0.000000e+00> : vector<1000x128xf32>
    %dot_general3A_106 = tpu.matmul %convert_element_type3A_101, %get3A_104, %dot_general3A_105 {dimension_numbers = #tpu.dot_dimension_numbers<[1], [0], [0], [1], [0, 0, 1, 1], [], []>, transpose_lhs_hint = false} : vector<1000x64xbf16>, vector<64x128xbf16>, vector<1000x128xf32> -> vector<1000x128xf32>
    %add3A_107 = arith.addf %add3A_95, %dot_general3A_106 : vector<1000x128xf32>
    %get3A_108 = arith.constant 0 : index
    %get3A_109 = arith.constant 8 : index
    %get3A_110 = vector.load %arg2[%get3A_108, %get3A_109] : memref<1000x16xf32, #tpu.memory_space<vmem>>, vector<1000x1xf32>
    %mul3A_111 = vector.broadcast %get3A_110 : vector<1000x1xf32> to vector<1000x64xf32>
    %mul3A_112 = arith.mulf %dot_general3A_14, %mul3A_111 : vector<1000x64xf32>
    %convert_element_type3A_113 = arith.truncf %mul3A_112 : vector<1000x64xf32> to vector<1000x64xbf16>
    %get3A_114 = arith.constant 512 : index
    %get3A_115 = arith.constant 0 : index
    %get3A_116 = vector.load %arg4[%get3A_114, %get3A_115] : memref<1024x128xbf16, #tpu.memory_space<vmem>>, vector<64x128xbf16>
    %dot_general3A_117 = arith.constant dense<0.000000e+00> : vector<1000x128xf32>
    %dot_general3A_118 = tpu.matmul %convert_element_type3A_113, %get3A_116, %dot_general3A_117 {dimension_numbers = #tpu.dot_dimension_numbers<[1], [0], [0], [1], [0, 0, 1, 1], [], []>, transpose_lhs_hint = false} : vector<1000x64xbf16>, vector<64x128xbf16>, vector<1000x128xf32> -> vector<1000x128xf32>
    %add3A_119 = arith.addf %add3A_107, %dot_general3A_118 : vector<1000x128xf32>
    %get3A_120 = arith.constant 0 : index
    %get3A_121 = arith.constant 9 : index
    %get3A_122 = vector.load %arg2[%get3A_120, %get3A_121] : memref<1000x16xf32, #tpu.memory_space<vmem>>, vector<1000x1xf32>
    %mul3A_123 = vector.broadcast %get3A_122 : vector<1000x1xf32> to vector<1000x64xf32>
    %mul3A_124 = arith.mulf %dot_general3A_14, %mul3A_123 : vector<1000x64xf32>
    %convert_element_type3A_125 = arith.truncf %mul3A_124 : vector<1000x64xf32> to vector<1000x64xbf16>
    %get3A_126 = arith.constant 576 : index
    %get3A_127 = arith.constant 0 : index
    %get3A_128 = vector.load %arg4[%get3A_126, %get3A_127] : memref<1024x128xbf16, #tpu.memory_space<vmem>>, vector<64x128xbf16>
    %dot_general3A_129 = arith.constant dense<0.000000e+00> : vector<1000x128xf32>
    %dot_general3A_130 = tpu.matmul %convert_element_type3A_125, %get3A_128, %dot_general3A_129 {dimension_numbers = #tpu.dot_dimension_numbers<[1], [0], [0], [1], [0, 0, 1, 1], [], []>, transpose_lhs_hint = false} : vector<1000x64xbf16>, vector<64x128xbf16>, vector<1000x128xf32> -> vector<1000x128xf32>
    %add3A_131 = arith.addf %add3A_119, %dot_general3A_130 : vector<1000x128xf32>
    %get3A_132 = arith.constant 0 : index
    %get3A_133 = arith.constant 10 : index
    %get3A_134 = vector.load %arg2[%get3A_132, %get3A_133] : memref<1000x16xf32, #tpu.memory_space<vmem>>, vector<1000x1xf32>
    %mul3A_135 = vector.broadcast %get3A_134 : vector<1000x1xf32> to vector<1000x64xf32>
    %mul3A_136 = arith.mulf %dot_general3A_14, %mul3A_135 : vector<1000x64xf32>
    %convert_element_type3A_137 = arith.truncf %mul3A_136 : vector<1000x64xf32> to vector<1000x64xbf16>
    %get3A_138 = arith.constant 640 : index
    %get3A_139 = arith.constant 0 : index
    %get3A_140 = vector.load %arg4[%get3A_138, %get3A_139] : memref<1024x128xbf16, #tpu.memory_space<vmem>>, vector<64x128xbf16>
    %dot_general3A_141 = arith.constant dense<0.000000e+00> : vector<1000x128xf32>
    %dot_general3A_142 = tpu.matmul %convert_element_type3A_137, %get3A_140, %dot_general3A_141 {dimension_numbers = #tpu.dot_dimension_numbers<[1], [0], [0], [1], [0, 0, 1, 1], [], []>, transpose_lhs_hint = false} : vector<1000x64xbf16>, vector<64x128xbf16>, vector<1000x128xf32> -> vector<1000x128xf32>
    %add3A_143 = arith.addf %add3A_131, %dot_general3A_142 : vector<1000x128xf32>
    %get3A_144 = arith.constant 0 : index
    %get3A_145 = arith.constant 11 : index
    %get3A_146 = vector.load %arg2[%get3A_144, %get3A_145] : memref<1000x16xf32, #tpu.memory_space<vmem>>, vector<1000x1xf32>
    %mul3A_147 = vector.broadcast %get3A_146 : vector<1000x1xf32> to vector<1000x64xf32>
    %mul3A_148 = arith.mulf %dot_general3A_14, %mul3A_147 : vector<1000x64xf32>
    %convert_element_type3A_149 = arith.truncf %mul3A_148 : vector<1000x64xf32> to vector<1000x64xbf16>
    %get3A_150 = arith.constant 704 : index
    %get3A_151 = arith.constant 0 : index
    %get3A_152 = vector.load %arg4[%get3A_150, %get3A_151] : memref<1024x128xbf16, #tpu.memory_space<vmem>>, vector<64x128xbf16>
    %dot_general3A_153 = arith.constant dense<0.000000e+00> : vector<1000x128xf32>
    %dot_general3A_154 = tpu.matmul %convert_element_type3A_149, %get3A_152, %dot_general3A_153 {dimension_numbers = #tpu.dot_dimension_numbers<[1], [0], [0], [1], [0, 0, 1, 1], [], []>, transpose_lhs_hint = false} : vector<1000x64xbf16>, vector<64x128xbf16>, vector<1000x128xf32> -> vector<1000x128xf32>
    %add3A_155 = arith.addf %add3A_143, %dot_general3A_154 : vector<1000x128xf32>
    %get3A_156 = arith.constant 0 : index
    %get3A_157 = arith.constant 12 : index
    %get3A_158 = vector.load %arg2[%get3A_156, %get3A_157] : memref<1000x16xf32, #tpu.memory_space<vmem>>, vector<1000x1xf32>
    %mul3A_159 = vector.broadcast %get3A_158 : vector<1000x1xf32> to vector<1000x64xf32>
    %mul3A_160 = arith.mulf %dot_general3A_14, %mul3A_159 : vector<1000x64xf32>
    %convert_element_type3A_161 = arith.truncf %mul3A_160 : vector<1000x64xf32> to vector<1000x64xbf16>
    %get3A_162 = arith.constant 768 : index
    %get3A_163 = arith.constant 0 : index
    %get3A_164 = vector.load %arg4[%get3A_162, %get3A_163] : memref<1024x128xbf16, #tpu.memory_space<vmem>>, vector<64x128xbf16>
    %dot_general3A_165 = arith.constant dense<0.000000e+00> : vector<1000x128xf32>
    %dot_general3A_166 = tpu.matmul %convert_element_type3A_161, %get3A_164, %dot_general3A_165 {dimension_numbers = #tpu.dot_dimension_numbers<[1], [0], [0], [1], [0, 0, 1, 1], [], []>, transpose_lhs_hint = false} : vector<1000x64xbf16>, vector<64x128xbf16>, vector<1000x128xf32> -> vector<1000x128xf32>
    %add3A_167 = arith.addf %add3A_155, %dot_general3A_166 : vector<1000x128xf32>
    %get3A_168 = arith.constant 0 : index
    %get3A_169 = arith.constant 13 : index
    %get3A_170 = vector.load %arg2[%get3A_168, %get3A_169] : memref<1000x16xf32, #tpu.memory_space<vmem>>, vector<1000x1xf32>
    %mul3A_171 = vector.broadcast %get3A_170 : vector<1000x1xf32> to vector<1000x64xf32>
    %mul3A_172 = arith.mulf %dot_general3A_14, %mul3A_171 : vector<1000x64xf32>
    %convert_element_type3A_173 = arith.truncf %mul3A_172 : vector<1000x64xf32> to vector<1000x64xbf16>
    %get3A_174 = arith.constant 832 : index
    %get3A_175 = arith.constant 0 : index
    %get3A_176 = vector.load %arg4[%get3A_174, %get3A_175] : memref<1024x128xbf16, #tpu.memory_space<vmem>>, vector<64x128xbf16>
    %dot_general3A_177 = arith.constant dense<0.000000e+00> : vector<1000x128xf32>
    %dot_general3A_178 = tpu.matmul %convert_element_type3A_173, %get3A_176, %dot_general3A_177 {dimension_numbers = #tpu.dot_dimension_numbers<[1], [0], [0], [1], [0, 0, 1, 1], [], []>, transpose_lhs_hint = false} : vector<1000x64xbf16>, vector<64x128xbf16>, vector<1000x128xf32> -> vector<1000x128xf32>
    %add3A_179 = arith.addf %add3A_167, %dot_general3A_178 : vector<1000x128xf32>
    %get3A_180 = arith.constant 0 : index
    %get3A_181 = arith.constant 14 : index
    %get3A_182 = vector.load %arg2[%get3A_180, %get3A_181] : memref<1000x16xf32, #tpu.memory_space<vmem>>, vector<1000x1xf32>
    %mul3A_183 = vector.broadcast %get3A_182 : vector<1000x1xf32> to vector<1000x64xf32>
    %mul3A_184 = arith.mulf %dot_general3A_14, %mul3A_183 : vector<1000x64xf32>
    %convert_element_type3A_185 = arith.truncf %mul3A_184 : vector<1000x64xf32> to vector<1000x64xbf16>
    %get3A_186 = arith.constant 896 : index
    %get3A_187 = arith.constant 0 : index
    %get3A_188 = vector.load %arg4[%get3A_186, %get3A_187] : memref<1024x128xbf16, #tpu.memory_space<vmem>>, vector<64x128xbf16>
    %dot_general3A_189 = arith.constant dense<0.000000e+00> : vector<1000x128xf32>
    %dot_general3A_190 = tpu.matmul %convert_element_type3A_185, %get3A_188, %dot_general3A_189 {dimension_numbers = #tpu.dot_dimension_numbers<[1], [0], [0], [1], [0, 0, 1, 1], [], []>, transpose_lhs_hint = false} : vector<1000x64xbf16>, vector<64x128xbf16>, vector<1000x128xf32> -> vector<1000x128xf32>
    %add3A_191 = arith.addf %add3A_179, %dot_general3A_190 : vector<1000x128xf32>
    %get3A_192 = arith.constant 0 : index
    %get3A_193 = arith.constant 15 : index
    %get3A_194 = vector.load %arg2[%get3A_192, %get3A_193] : memref<1000x16xf32, #tpu.memory_space<vmem>>, vector<1000x1xf32>
    %mul3A_195 = vector.broadcast %get3A_194 : vector<1000x1xf32> to vector<1000x64xf32>
    %mul3A_196 = arith.mulf %dot_general3A_14, %mul3A_195 : vector<1000x64xf32>
    %convert_element_type3A_197 = arith.truncf %mul3A_196 : vector<1000x64xf32> to vector<1000x64xbf16>
    %get3A_198 = arith.constant 960 : index
    %get3A_199 = arith.constant 0 : index
    %get3A_200 = vector.load %arg4[%get3A_198, %get3A_199] : memref<1024x128xbf16, #tpu.memory_space<vmem>>, vector<64x128xbf16>
    %dot_general3A_201 = arith.constant dense<0.000000e+00> : vector<1000x128xf32>
    %dot_general3A_202 = tpu.matmul %convert_element_type3A_197, %get3A_200, %dot_general3A_201 {dimension_numbers = #tpu.dot_dimension_numbers<[1], [0], [0], [1], [0, 0, 1, 1], [], []>, transpose_lhs_hint = false} : vector<1000x64xbf16>, vector<64x128xbf16>, vector<1000x128xf32> -> vector<1000x128xf32>
    %add3A_203 = arith.addf %add3A_191, %dot_general3A_202 : vector<1000x128xf32>
    %swap3A = arith.constant 0 : index
    %swap3A_204 = arith.constant 0 : index
    %swap3A_205 = vector.load %arg5[%swap3A, %swap3A_204] : memref<1000x128xf32, #tpu.memory_space<vmem>>, vector<1000x128xf32>
    tpu.vector_store %arg5[%swap3A, %swap3A_204], %add3A_203 {strides = array<i32>} : memref<1000x128xf32, #tpu.memory_space<vmem>>, vector<1000x128xf32>,
    return
  }
  func.func @transform_0(%arg0: i32) -> (i32, i32, i32) {
    %c0_i32 = arith.constant 0 : i32
    %c0_i32_0 = arith.constant 0 : i32
    %c0_i32_1 = arith.constant 0 : i32
    return %c0_i32, %arg0, %c0_i32_0 : i32, i32, i32
  }
  func.func @transform_1(%arg0: i32) -> (i32, i32) {
    %c0_i32 = arith.constant 0 : i32
    %c0_i32_0 = arith.constant 0 : i32
    return %arg0, %c0_i32 : i32, i32
  }
  func.func @transform_2(%arg0: i32) -> (i32, i32) {
    %c0_i32 = arith.constant 0 : i32
    %c0_i32_0 = arith.constant 0 : i32
    %c0_i32_1 = arith.constant 0 : i32
    return %c0_i32, %c0_i32_0 : i32, i32
  }
  func.func @transform_3(%arg0: i32) -> (i32, i32) {
    %c0_i32 = arith.constant 0 : i32
    %c0_i32_0 = arith.constant 0 : i32
    %c0_i32_1 = arith.constant 0 : i32
    return %c0_i32, %c0_i32_0 : i32, i32
  }
  func.func @transform_4(%arg0: i32) -> (i32, i32) {
    %c0_i32 = arith.constant 0 : i32
    %c0_i32_0 = arith.constant 0 : i32
    return %arg0, %c0_i32 : i32, i32
  }
}

module attributes {stable_mosaic.version = 14 : i64} {
  func.func @_final_body(%arg0: i32, %arg1: memref<2x1000x128xf32, #tpu.memory_space<vmem>>, %arg2: memref<2x1000x128xf32, #tpu.memory_space<vmem>>, %arg3: memref<1000x16xf32, #tpu.memory_space<vmem>>, %arg4: memref<128x64xf32, #tpu.memory_space<vmem>>, %arg5: memref<1024x128xf32, #tpu.memory_space<vmem>>, %arg6: memref<128x256xf32, #tpu.memory_space<vmem>>, %arg7: memref<1x256xf32, #tpu.memory_space<vmem>>, %arg8: memref<256x128xf32, #tpu.memory_space<vmem>>, %arg9: memref<1x128xf32, #tpu.memory_space<vmem>>, %arg10: memref<128x256xf32, #tpu.memory_space<vmem>>, %arg11: memref<1x256xf32, #tpu.memory_space<vmem>>, %arg12: memref<1x256xf32, #tpu.memory_space<vmem>>, %arg13: memref<1x1xf32, #tpu.memory_space<vmem>>, %arg14: memref<1x128xf32, #tpu.memory_space<vmem>>, %arg15: memref<1x1xf32, #tpu.memory_space<vmem>>, %arg16: memref<16x64xf32, #tpu.memory_space<vmem>>) attributes {dimension_semantics = [#tpu.dimension_semantics<arbitrary>], iteration_bounds = array<i64: 10>, scalar_prefetch = 0 : i64, scratch_operands = 1 : i64, tpu.core_type = #tpu.core_type<tc>, window_params = [{transform_indices = @transform_0, window_bounds = array<i64: 2, 1000, 128>}, {transform_indices = @transform_1, window_bounds = array<i64: 2, 1000, 128>}, {transform_indices = @transform_2, window_bounds = array<i64: 1000, 16>}, {pipeline_mode = #tpu.pipeline_mode<synchronous>, transform_indices = @transform_3, window_bounds = array<i64: 128, 64>}, {pipeline_mode = #tpu.pipeline_mode<synchronous>, transform_indices = @transform_4, window_bounds = array<i64: 1024, 128>}, {pipeline_mode = #tpu.pipeline_mode<synchronous>, transform_indices = @transform_5, window_bounds = array<i64: 128, 256>}, {pipeline_mode = #tpu.pipeline_mode<synchronous>, transform_indices = @transform_6, window_bounds = array<i64: 1, 256>}, {pipeline_mode = #tpu.pipeline_mode<synchronous>, transform_indices = @transform_7, window_bounds = array<i64: 256, 128>}, {pipeline_mode = #tpu.pipeline_mode<synchronous>, transform_indices = @transform_8, window_bounds = array<i64: 1, 128>}, {pipeline_mode = #tpu.pipeline_mode<synchronous>, transform_indices = @transform_9, window_bounds = array<i64: 128, 256>}, {pipeline_mode = #tpu.pipeline_mode<synchronous>, transform_indices = @transform_10, window_bounds = array<i64: 1, 256>}, {pipeline_mode = #tpu.pipeline_mode<synchronous>, transform_indices = @transform_11, window_bounds = array<i64: 1, 256>}, {pipeline_mode = #tpu.pipeline_mode<synchronous>, transform_indices = @transform_12, window_bounds = array<i64: 1, 1>}, {pipeline_mode = #tpu.pipeline_mode<synchronous>, transform_indices = @transform_13, window_bounds = array<i64: 1, 128>}, {pipeline_mode = #tpu.pipeline_mode<synchronous>, transform_indices = @transform_14, window_bounds = array<i64: 1, 1>}]} {
    %get3A = arith.constant 0 : index
    %get3A_0 = arith.constant 0 : index
    %get3A_1 = arith.constant 0 : index
    %get3A_2 = vector.load %arg1[%get3A, %get3A_0, %get3A_1] : memref<2x1000x128xf32, #tpu.memory_space<vmem>>, vector<1x1000x128xf32>
    %get3A_3 = vector.shape_cast %get3A_2 : vector<1x1000x128xf32> to vector<1000x128xf32>
    %get3A_4 = arith.constant 1 : index
    %get3A_5 = arith.constant 0 : index
    %get3A_6 = arith.constant 0 : index
    %get3A_7 = vector.load %arg1[%get3A_4, %get3A_5, %get3A_6] : memref<2x1000x128xf32, #tpu.memory_space<vmem>>, vector<1x1000x128xf32>
    %get3A_8 = vector.shape_cast %get3A_7 : vector<1x1000x128xf32> to vector<1000x128xf32>
    %add3A = arith.addf %get3A_3, %get3A_8 : vector<1000x128xf32>
    %max3A = arith.constant 0.000000e+00 : f32
    %max3A_9 = vector.broadcast %max3A : f32 to vector<1000x128xf32>
    %max3A_10 = arith.maximumf %add3A, %max3A_9 : vector<1000x128xf32>
    %get3A_11 = arith.constant 0 : index
    %get3A_12 = arith.constant 0 : index
    %get3A_13 = vector.load %arg4[%get3A_11, %get3A_12] : memref<128x64xf32, #tpu.memory_space<vmem>>, vector<128x64xf32>
    %dot_general3A = arith.constant dense<0.000000e+00> : vector<1000x64xf32>
    %dot_general3A_14 = tpu.matmul %max3A_10, %get3A_13, %dot_general3A {dimension_numbers = #tpu.dot_dimension_numbers<[1], [0], [0], [1], [0, 0, 1, 1], [], []>, transpose_lhs_hint = false} : vector<1000x128xf32>, vector<128x64xf32>, vector<1000x64xf32> -> vector<1000x64xf32>
    %get3A_15 = arith.constant 0 : index
    %get3A_16 = arith.constant 0 : index
    %get3A_17 = arith.constant 0 : index
    %get3A_18 = vector.load %arg2[%get3A_15, %get3A_16, %get3A_17] : memref<2x1000x128xf32, #tpu.memory_space<vmem>>, vector<1x1000x128xf32>
    %get3A_19 = vector.shape_cast %get3A_18 : vector<1x1000x128xf32> to vector<1000x128xf32>
    %get3A_20 = arith.constant 1 : index
    %get3A_21 = arith.constant 0 : index
    %get3A_22 = arith.constant 0 : index
    %get3A_23 = vector.load %arg2[%get3A_20, %get3A_21, %get3A_22] : memref<2x1000x128xf32, #tpu.memory_space<vmem>>, vector<1x1000x128xf32>
    %get3A_24 = vector.shape_cast %get3A_23 : vector<1x1000x128xf32> to vector<1000x128xf32>
    %add3A_25 = arith.addf %get3A_19, %get3A_24 : vector<1000x128xf32>
    %slice3A = vector.extract_strided_slice %add3A_25 {offsets = [0, 0], sizes = [1000, 1], strides = [1, 1]} : vector<1000x128xf32> to vector<1000x1xf32>
    %get3A_26 = arith.constant 0 : index
    %get3A_27 = arith.constant 0 : index
    %get3A_28 = vector.load %arg3[%get3A_26, %get3A_27] : memref<1000x16xf32, #tpu.memory_space<vmem>>, vector<1000x16xf32>
    %mul3A = vector.broadcast %slice3A : vector<1000x1xf32> to vector<1000x16xf32>
    %mul3A_29 = arith.mulf %get3A_28, %mul3A : vector<1000x16xf32>
    %dot_general3A_30 = arith.constant dense<0.000000e+00> : vector<16x64xf32>
    %dot_general3A_31 = tpu.matmul %mul3A_29, %dot_general3A_14, %dot_general3A_30 {dimension_numbers = #tpu.dot_dimension_numbers<[0], [0], [1], [1], [0, 1, 1, 1], [], []>, transpose_lhs_hint = false} : vector<1000x16xf32>, vector<1000x64xf32>, vector<16x64xf32> -> vector<16x64xf32>
    %eq3A = arith.constant 0 : i32
    %eq3A_32 = arith.cmpi eq, %arg0, %eq3A : i32
    %convert_element_type3A = arith.extui %eq3A_32 : i1 to i32
    %cond3A = arith.constant 0 : i32
    %cond3A_33 = arith.cmpi ne, %convert_element_type3A, %cond3A : i32
    scf.if %cond3A_33 {
      %swap3A = arith.constant 0 : index
      %swap3A_43 = arith.constant 0 : index
      %swap3A_44 = vector.load %arg16[%swap3A, %swap3A_43] : memref<16x64xf32, #tpu.memory_space<vmem>>, vector<16x64xf32>
      tpu.vector_store %arg16[%swap3A, %swap3A_43], %dot_general3A_31 {strides = array<i32>} : memref<16x64xf32, #tpu.memory_space<vmem>>, vector<16x64xf32>,
    } else {
    }
    %gt3A = arith.constant 0 : i32
    %gt3A_34 = arith.cmpi sgt, %arg0, %gt3A : i32
    %convert_element_type3A_35 = arith.extui %gt3A_34 : i1 to i32
    %cond3A_36 = arith.constant 0 : i32
    %cond3A_37 = arith.cmpi ne, %convert_element_type3A_35, %cond3A_36 : i32
    scf.if %cond3A_37 {
      %get3A_43 = arith.constant 0 : index
      %get3A_44 = arith.constant 0 : index
      %get3A_45 = vector.load %arg16[%get3A_43, %get3A_44] : memref<16x64xf32, #tpu.memory_space<vmem>>, vector<16x64xf32>
      %add3A_46 = arith.addf %get3A_45, %dot_general3A_31 : vector<16x64xf32>
      %swap3A = arith.constant 0 : index
      %swap3A_47 = arith.constant 0 : index
      %swap3A_48 = vector.load %arg16[%swap3A, %swap3A_47] : memref<16x64xf32, #tpu.memory_space<vmem>>, vector<16x64xf32>
      tpu.vector_store %arg16[%swap3A, %swap3A_47], %add3A_46 {strides = array<i32>} : memref<16x64xf32, #tpu.memory_space<vmem>>, vector<16x64xf32>,
    } else {
    }
    %eq3A_38 = arith.constant 9 : i32
    %eq3A_39 = arith.cmpi eq, %arg0, %eq3A_38 : i32
    %convert_element_type3A_40 = arith.extui %eq3A_39 : i1 to i32
    %cond3A_41 = arith.constant 0 : i32
    %cond3A_42 = arith.cmpi ne, %convert_element_type3A_40, %cond3A_41 : i32
    scf.if %cond3A_42 {
      %get3A_43 = arith.constant 0 : index
      %get3A_44 = arith.constant 0 : index
      %get3A_45 = vector.load %arg16[%get3A_43, %get3A_44] : memref<16x64xf32, #tpu.memory_space<vmem>>, vector<16x64xf32>
      %slice3A_46 = vector.extract_strided_slice %get3A_45 {offsets = [0, 0], sizes = [1, 64], strides = [1, 1]} : vector<16x64xf32> to vector<1x64xf32>
      %get3A_47 = arith.constant 0 : index
      %get3A_48 = arith.constant 0 : index
      %get3A_49 = vector.load %arg5[%get3A_47, %get3A_48] : memref<1024x128xf32, #tpu.memory_space<vmem>>, vector<64x128xf32>
      %dot_general3A_50 = arith.constant dense<0.000000e+00> : vector<1x128xf32>
      %dot_general3A_51 = tpu.matmul %slice3A_46, %get3A_49, %dot_general3A_50 {dimension_numbers = #tpu.dot_dimension_numbers<[1], [0], [0], [1], [0, 0, 1, 1], [], []>, transpose_lhs_hint = false} : vector<1x64xf32>, vector<64x128xf32>, vector<1x128xf32> -> vector<1x128xf32>
      %slice3A_52 = vector.extract_strided_slice %get3A_45 {offsets = [1, 0], sizes = [1, 64], strides = [1, 1]} : vector<16x64xf32> to vector<1x64xf32>
      %get3A_53 = arith.constant 64 : index
      %get3A_54 = arith.constant 0 : index
      %get3A_55 = vector.load %arg5[%get3A_53, %get3A_54] : memref<1024x128xf32, #tpu.memory_space<vmem>>, vector<64x128xf32>
      %dot_general3A_56 = arith.constant dense<0.000000e+00> : vector<1x128xf32>
      %dot_general3A_57 = tpu.matmul %slice3A_52, %get3A_55, %dot_general3A_56 {dimension_numbers = #tpu.dot_dimension_numbers<[1], [0], [0], [1], [0, 0, 1, 1], [], []>, transpose_lhs_hint = false} : vector<1x64xf32>, vector<64x128xf32>, vector<1x128xf32> -> vector<1x128xf32>
      %add3A_58 = arith.addf %dot_general3A_51, %dot_general3A_57 : vector<1x128xf32>
      %slice3A_59 = vector.extract_strided_slice %get3A_45 {offsets = [2, 0], sizes = [1, 64], strides = [1, 1]} : vector<16x64xf32> to vector<1x64xf32>
      %get3A_60 = arith.constant 128 : index
      %get3A_61 = arith.constant 0 : index
      %get3A_62 = vector.load %arg5[%get3A_60, %get3A_61] : memref<1024x128xf32, #tpu.memory_space<vmem>>, vector<64x128xf32>
      %dot_general3A_63 = arith.constant dense<0.000000e+00> : vector<1x128xf32>
      %dot_general3A_64 = tpu.matmul %slice3A_59, %get3A_62, %dot_general3A_63 {dimension_numbers = #tpu.dot_dimension_numbers<[1], [0], [0], [1], [0, 0, 1, 1], [], []>, transpose_lhs_hint = false} : vector<1x64xf32>, vector<64x128xf32>, vector<1x128xf32> -> vector<1x128xf32>
      %add3A_65 = arith.addf %add3A_58, %dot_general3A_64 : vector<1x128xf32>
      %slice3A_66 = vector.extract_strided_slice %get3A_45 {offsets = [3, 0], sizes = [1, 64], strides = [1, 1]} : vector<16x64xf32> to vector<1x64xf32>
      %get3A_67 = arith.constant 192 : index
      %get3A_68 = arith.constant 0 : index
      %get3A_69 = vector.load %arg5[%get3A_67, %get3A_68] : memref<1024x128xf32, #tpu.memory_space<vmem>>, vector<64x128xf32>
      %dot_general3A_70 = arith.constant dense<0.000000e+00> : vector<1x128xf32>
      %dot_general3A_71 = tpu.matmul %slice3A_66, %get3A_69, %dot_general3A_70 {dimension_numbers = #tpu.dot_dimension_numbers<[1], [0], [0], [1], [0, 0, 1, 1], [], []>, transpose_lhs_hint = false} : vector<1x64xf32>, vector<64x128xf32>, vector<1x128xf32> -> vector<1x128xf32>
      %add3A_72 = arith.addf %add3A_65, %dot_general3A_71 : vector<1x128xf32>
      %slice3A_73 = vector.extract_strided_slice %get3A_45 {offsets = [4, 0], sizes = [1, 64], strides = [1, 1]} : vector<16x64xf32> to vector<1x64xf32>
      %get3A_74 = arith.constant 256 : index
      %get3A_75 = arith.constant 0 : index
      %get3A_76 = vector.load %arg5[%get3A_74, %get3A_75] : memref<1024x128xf32, #tpu.memory_space<vmem>>, vector<64x128xf32>
      %dot_general3A_77 = arith.constant dense<0.000000e+00> : vector<1x128xf32>
      %dot_general3A_78 = tpu.matmul %slice3A_73, %get3A_76, %dot_general3A_77 {dimension_numbers = #tpu.dot_dimension_numbers<[1], [0], [0], [1], [0, 0, 1, 1], [], []>, transpose_lhs_hint = false} : vector<1x64xf32>, vector<64x128xf32>, vector<1x128xf32> -> vector<1x128xf32>
      %add3A_79 = arith.addf %add3A_72, %dot_general3A_78 : vector<1x128xf32>
      %slice3A_80 = vector.extract_strided_slice %get3A_45 {offsets = [5, 0], sizes = [1, 64], strides = [1, 1]} : vector<16x64xf32> to vector<1x64xf32>
      %get3A_81 = arith.constant 320 : index
      %get3A_82 = arith.constant 0 : index
      %get3A_83 = vector.load %arg5[%get3A_81, %get3A_82] : memref<1024x128xf32, #tpu.memory_space<vmem>>, vector<64x128xf32>
      %dot_general3A_84 = arith.constant dense<0.000000e+00> : vector<1x128xf32>
      %dot_general3A_85 = tpu.matmul %slice3A_80, %get3A_83, %dot_general3A_84 {dimension_numbers = #tpu.dot_dimension_numbers<[1], [0], [0], [1], [0, 0, 1, 1], [], []>, transpose_lhs_hint = false} : vector<1x64xf32>, vector<64x128xf32>, vector<1x128xf32> -> vector<1x128xf32>
      %add3A_86 = arith.addf %add3A_79, %dot_general3A_85 : vector<1x128xf32>
      %slice3A_87 = vector.extract_strided_slice %get3A_45 {offsets = [6, 0], sizes = [1, 64], strides = [1, 1]} : vector<16x64xf32> to vector<1x64xf32>
      %get3A_88 = arith.constant 384 : index
      %get3A_89 = arith.constant 0 : index
      %get3A_90 = vector.load %arg5[%get3A_88, %get3A_89] : memref<1024x128xf32, #tpu.memory_space<vmem>>, vector<64x128xf32>
      %dot_general3A_91 = arith.constant dense<0.000000e+00> : vector<1x128xf32>
      %dot_general3A_92 = tpu.matmul %slice3A_87, %get3A_90, %dot_general3A_91 {dimension_numbers = #tpu.dot_dimension_numbers<[1], [0], [0], [1], [0, 0, 1, 1], [], []>, transpose_lhs_hint = false} : vector<1x64xf32>, vector<64x128xf32>, vector<1x128xf32> -> vector<1x128xf32>
      %add3A_93 = arith.addf %add3A_86, %dot_general3A_92 : vector<1x128xf32>
      %slice3A_94 = vector.extract_strided_slice %get3A_45 {offsets = [7, 0], sizes = [1, 64], strides = [1, 1]} : vector<16x64xf32> to vector<1x64xf32>
      %get3A_95 = arith.constant 448 : index
      %get3A_96 = arith.constant 0 : index
      %get3A_97 = vector.load %arg5[%get3A_95, %get3A_96] : memref<1024x128xf32, #tpu.memory_space<vmem>>, vector<64x128xf32>
      %dot_general3A_98 = arith.constant dense<0.000000e+00> : vector<1x128xf32>
      %dot_general3A_99 = tpu.matmul %slice3A_94, %get3A_97, %dot_general3A_98 {dimension_numbers = #tpu.dot_dimension_numbers<[1], [0], [0], [1], [0, 0, 1, 1], [], []>, transpose_lhs_hint = false} : vector<1x64xf32>, vector<64x128xf32>, vector<1x128xf32> -> vector<1x128xf32>
      %add3A_100 = arith.addf %add3A_93, %dot_general3A_99 : vector<1x128xf32>
      %slice3A_101 = vector.extract_strided_slice %get3A_45 {offsets = [8, 0], sizes = [1, 64], strides = [1, 1]} : vector<16x64xf32> to vector<1x64xf32>
      %get3A_102 = arith.constant 512 : index
      %get3A_103 = arith.constant 0 : index
      %get3A_104 = vector.load %arg5[%get3A_102, %get3A_103] : memref<1024x128xf32, #tpu.memory_space<vmem>>, vector<64x128xf32>
      %dot_general3A_105 = arith.constant dense<0.000000e+00> : vector<1x128xf32>
      %dot_general3A_106 = tpu.matmul %slice3A_101, %get3A_104, %dot_general3A_105 {dimension_numbers = #tpu.dot_dimension_numbers<[1], [0], [0], [1], [0, 0, 1, 1], [], []>, transpose_lhs_hint = false} : vector<1x64xf32>, vector<64x128xf32>, vector<1x128xf32> -> vector<1x128xf32>
      %add3A_107 = arith.addf %add3A_100, %dot_general3A_106 : vector<1x128xf32>
      %slice3A_108 = vector.extract_strided_slice %get3A_45 {offsets = [9, 0], sizes = [1, 64], strides = [1, 1]} : vector<16x64xf32> to vector<1x64xf32>
      %get3A_109 = arith.constant 576 : index
      %get3A_110 = arith.constant 0 : index
      %get3A_111 = vector.load %arg5[%get3A_109, %get3A_110] : memref<1024x128xf32, #tpu.memory_space<vmem>>, vector<64x128xf32>
      %dot_general3A_112 = arith.constant dense<0.000000e+00> : vector<1x128xf32>
      %dot_general3A_113 = tpu.matmul %slice3A_108, %get3A_111, %dot_general3A_112 {dimension_numbers = #tpu.dot_dimension_numbers<[1], [0], [0], [1], [0, 0, 1, 1], [], []>, transpose_lhs_hint = false} : vector<1x64xf32>, vector<64x128xf32>, vector<1x128xf32> -> vector<1x128xf32>
      %add3A_114 = arith.addf %add3A_107, %dot_general3A_113 : vector<1x128xf32>
      %slice3A_115 = vector.extract_strided_slice %get3A_45 {offsets = [10, 0], sizes = [1, 64], strides = [1, 1]} : vector<16x64xf32> to vector<1x64xf32>
      %get3A_116 = arith.constant 640 : index
      %get3A_117 = arith.constant 0 : index
      %get3A_118 = vector.load %arg5[%get3A_116, %get3A_117] : memref<1024x128xf32, #tpu.memory_space<vmem>>, vector<64x128xf32>
      %dot_general3A_119 = arith.constant dense<0.000000e+00> : vector<1x128xf32>
      %dot_general3A_120 = tpu.matmul %slice3A_115, %get3A_118, %dot_general3A_119 {dimension_numbers = #tpu.dot_dimension_numbers<[1], [0], [0], [1], [0, 0, 1, 1], [], []>, transpose_lhs_hint = false} : vector<1x64xf32>, vector<64x128xf32>, vector<1x128xf32> -> vector<1x128xf32>
      %add3A_121 = arith.addf %add3A_114, %dot_general3A_120 : vector<1x128xf32>
      %slice3A_122 = vector.extract_strided_slice %get3A_45 {offsets = [11, 0], sizes = [1, 64], strides = [1, 1]} : vector<16x64xf32> to vector<1x64xf32>
      %get3A_123 = arith.constant 704 : index
      %get3A_124 = arith.constant 0 : index
      %get3A_125 = vector.load %arg5[%get3A_123, %get3A_124] : memref<1024x128xf32, #tpu.memory_space<vmem>>, vector<64x128xf32>
      %dot_general3A_126 = arith.constant dense<0.000000e+00> : vector<1x128xf32>
      %dot_general3A_127 = tpu.matmul %slice3A_122, %get3A_125, %dot_general3A_126 {dimension_numbers = #tpu.dot_dimension_numbers<[1], [0], [0], [1], [0, 0, 1, 1], [], []>, transpose_lhs_hint = false} : vector<1x64xf32>, vector<64x128xf32>, vector<1x128xf32> -> vector<1x128xf32>
      %add3A_128 = arith.addf %add3A_121, %dot_general3A_127 : vector<1x128xf32>
      %slice3A_129 = vector.extract_strided_slice %get3A_45 {offsets = [12, 0], sizes = [1, 64], strides = [1, 1]} : vector<16x64xf32> to vector<1x64xf32>
      %get3A_130 = arith.constant 768 : index
      %get3A_131 = arith.constant 0 : index
      %get3A_132 = vector.load %arg5[%get3A_130, %get3A_131] : memref<1024x128xf32, #tpu.memory_space<vmem>>, vector<64x128xf32>
      %dot_general3A_133 = arith.constant dense<0.000000e+00> : vector<1x128xf32>
      %dot_general3A_134 = tpu.matmul %slice3A_129, %get3A_132, %dot_general3A_133 {dimension_numbers = #tpu.dot_dimension_numbers<[1], [0], [0], [1], [0, 0, 1, 1], [], []>, transpose_lhs_hint = false} : vector<1x64xf32>, vector<64x128xf32>, vector<1x128xf32> -> vector<1x128xf32>
      %add3A_135 = arith.addf %add3A_128, %dot_general3A_134 : vector<1x128xf32>
      %slice3A_136 = vector.extract_strided_slice %get3A_45 {offsets = [13, 0], sizes = [1, 64], strides = [1, 1]} : vector<16x64xf32> to vector<1x64xf32>
      %get3A_137 = arith.constant 832 : index
      %get3A_138 = arith.constant 0 : index
      %get3A_139 = vector.load %arg5[%get3A_137, %get3A_138] : memref<1024x128xf32, #tpu.memory_space<vmem>>, vector<64x128xf32>
      %dot_general3A_140 = arith.constant dense<0.000000e+00> : vector<1x128xf32>
      %dot_general3A_141 = tpu.matmul %slice3A_136, %get3A_139, %dot_general3A_140 {dimension_numbers = #tpu.dot_dimension_numbers<[1], [0], [0], [1], [0, 0, 1, 1], [], []>, transpose_lhs_hint = false} : vector<1x64xf32>, vector<64x128xf32>, vector<1x128xf32> -> vector<1x128xf32>
      %add3A_142 = arith.addf %add3A_135, %dot_general3A_141 : vector<1x128xf32>
      %slice3A_143 = vector.extract_strided_slice %get3A_45 {offsets = [14, 0], sizes = [1, 64], strides = [1, 1]} : vector<16x64xf32> to vector<1x64xf32>
      %get3A_144 = arith.constant 896 : index
      %get3A_145 = arith.constant 0 : index
      %get3A_146 = vector.load %arg5[%get3A_144, %get3A_145] : memref<1024x128xf32, #tpu.memory_space<vmem>>, vector<64x128xf32>
      %dot_general3A_147 = arith.constant dense<0.000000e+00> : vector<1x128xf32>
      %dot_general3A_148 = tpu.matmul %slice3A_143, %get3A_146, %dot_general3A_147 {dimension_numbers = #tpu.dot_dimension_numbers<[1], [0], [0], [1], [0, 0, 1, 1], [], []>, transpose_lhs_hint = false} : vector<1x64xf32>, vector<64x128xf32>, vector<1x128xf32> -> vector<1x128xf32>
      %add3A_149 = arith.addf %add3A_142, %dot_general3A_148 : vector<1x128xf32>
      %slice3A_150 = vector.extract_strided_slice %get3A_45 {offsets = [15, 0], sizes = [1, 64], strides = [1, 1]} : vector<16x64xf32> to vector<1x64xf32>
      %get3A_151 = arith.constant 960 : index
      %get3A_152 = arith.constant 0 : index
      %get3A_153 = vector.load %arg5[%get3A_151, %get3A_152] : memref<1024x128xf32, #tpu.memory_space<vmem>>, vector<64x128xf32>
      %dot_general3A_154 = arith.constant dense<0.000000e+00> : vector<1x128xf32>
      %dot_general3A_155 = tpu.matmul %slice3A_150, %get3A_153, %dot_general3A_154 {dimension_numbers = #tpu.dot_dimension_numbers<[1], [0], [0], [1], [0, 0, 1, 1], [], []>, transpose_lhs_hint = false} : vector<1x64xf32>, vector<64x128xf32>, vector<1x128xf32> -> vector<1x128xf32>
      %add3A_156 = arith.addf %add3A_149, %dot_general3A_155 : vector<1x128xf32>
      %reduce_max3A = vector.shape_cast %add3A_156 : vector<1x128xf32> to vector<1x1x128xf32>
      %reduce_max3A_157 = arith.constant dense<0xFF800000> : vector<1xf32>
      %reduce_max3A_158 = vector.multi_reduction <maximumf>, %reduce_max3A, %reduce_max3A_157 [1, 2] : vector<1x1x128xf32> to vector<1xf32>
      %reduce_max3A_159 = vector.shape_cast %reduce_max3A_158 : vector<1xf32> to vector<1x1x1xf32>
      %reduce_max3A_160 = vector.extract %reduce_max3A_159[0, 0, 0] : f32 from vector<1x1x1xf32>
      %sub3A = vector.broadcast %reduce_max3A_160 : f32 to vector<1x128xf32>
      %sub3A_161 = arith.subf %add3A_156, %sub3A : vector<1x128xf32>
      %exp3A = math.exp %sub3A_161 : vector<1x128xf32>
      %reduce_sum3A = vector.shape_cast %exp3A : vector<1x128xf32> to vector<1x1x128xf32>
      %reduce_sum3A_162 = arith.constant dense<0.000000e+00> : vector<1xf32>
      %reduce_sum3A_163 = vector.multi_reduction <add>, %reduce_sum3A, %reduce_sum3A_162 [1, 2] : vector<1x1x128xf32> to vector<1xf32>
      %reduce_sum3A_164 = vector.shape_cast %reduce_sum3A_163 : vector<1xf32> to vector<1x1x1xf32>
      %reduce_sum3A_165 = vector.extract %reduce_sum3A_164[0, 0, 0] : f32 from vector<1x1x1xf32>
      %div3A = vector.broadcast %reduce_sum3A_165 : f32 to vector<1x128xf32>
      %div3A_166 = arith.divf %exp3A, %div3A : vector<1x128xf32>
      %get3A_167 = arith.constant 0 : index
      %get3A_168 = arith.constant 0 : index
      %get3A_169 = vector.load %arg6[%get3A_167, %get3A_168] : memref<128x256xf32, #tpu.memory_space<vmem>>, vector<128x256xf32>
      %dot_general3A_170 = arith.constant dense<0.000000e+00> : vector<1x256xf32>
      %dot_general3A_171 = tpu.matmul %div3A_166, %get3A_169, %dot_general3A_170 {dimension_numbers = #tpu.dot_dimension_numbers<[1], [0], [0], [1], [0, 0, 1, 1], [], []>, transpose_lhs_hint = false} : vector<1x128xf32>, vector<128x256xf32>, vector<1x256xf32> -> vector<1x256xf32>
      %get3A_172 = arith.constant 0 : index
      %get3A_173 = arith.constant 0 : index
      %get3A_174 = vector.load %arg7[%get3A_172, %get3A_173] : memref<1x256xf32, #tpu.memory_space<vmem>>, vector<1x256xf32>
      %add3A_175 = arith.addf %dot_general3A_171, %get3A_174 : vector<1x256xf32>
      %max3A_176 = arith.constant 0.000000e+00 : f32
      %max3A_177 = vector.broadcast %max3A_176 : f32 to vector<1x256xf32>
      %max3A_178 = arith.maximumf %add3A_175, %max3A_177 : vector<1x256xf32>
      %get3A_179 = arith.constant 0 : index
      %get3A_180 = arith.constant 0 : index
      %get3A_181 = vector.load %arg8[%get3A_179, %get3A_180] : memref<256x128xf32, #tpu.memory_space<vmem>>, vector<256x128xf32>
      %dot_general3A_182 = arith.constant dense<0.000000e+00> : vector<1x128xf32>
      %dot_general3A_183 = tpu.matmul %max3A_178, %get3A_181, %dot_general3A_182 {dimension_numbers = #tpu.dot_dimension_numbers<[1], [0], [0], [1], [0, 0, 1, 1], [], []>, transpose_lhs_hint = false} : vector<1x256xf32>, vector<256x128xf32>, vector<1x128xf32> -> vector<1x128xf32>
      %get3A_184 = arith.constant 0 : index
      %get3A_185 = arith.constant 0 : index
      %get3A_186 = vector.load %arg9[%get3A_184, %get3A_185] : memref<1x128xf32, #tpu.memory_space<vmem>>, vector<1x128xf32>
      %add3A_187 = arith.addf %dot_general3A_183, %get3A_186 : vector<1x128xf32>
      %swap3A = arith.constant 0 : index
      %swap3A_188 = arith.constant 0 : index
      %swap3A_189 = vector.load %arg14[%swap3A, %swap3A_188] : memref<1x128xf32, #tpu.memory_space<vmem>>, vector<1x128xf32>
      tpu.vector_store %arg14[%swap3A, %swap3A_188], %add3A_187 {strides = array<i32>} : memref<1x128xf32, #tpu.memory_space<vmem>>, vector<1x128xf32>,
      %get3A_190 = arith.constant 0 : index
      %get3A_191 = arith.constant 0 : index
      %get3A_192 = vector.load %arg10[%get3A_190, %get3A_191] : memref<128x256xf32, #tpu.memory_space<vmem>>, vector<128x256xf32>
      %dot_general3A_193 = arith.constant dense<0.000000e+00> : vector<1x256xf32>
      %dot_general3A_194 = tpu.matmul %div3A_166, %get3A_192, %dot_general3A_193 {dimension_numbers = #tpu.dot_dimension_numbers<[1], [0], [0], [1], [0, 0, 1, 1], [], []>, transpose_lhs_hint = false} : vector<1x128xf32>, vector<128x256xf32>, vector<1x256xf32> -> vector<1x256xf32>
      %get3A_195 = arith.constant 0 : index
      %get3A_196 = arith.constant 0 : index
      %get3A_197 = vector.load %arg11[%get3A_195, %get3A_196] : memref<1x256xf32, #tpu.memory_space<vmem>>, vector<1x256xf32>
      %add3A_198 = arith.addf %dot_general3A_194, %get3A_197 : vector<1x256xf32>
      %max3A_199 = arith.constant 0.000000e+00 : f32
      %max3A_200 = vector.broadcast %max3A_199 : f32 to vector<1x256xf32>
      %max3A_201 = arith.maximumf %add3A_198, %max3A_200 : vector<1x256xf32>
      %get3A_202 = arith.constant 0 : index
      %get3A_203 = arith.constant 0 : index
      %get3A_204 = vector.load %arg12[%get3A_202, %get3A_203] : memref<1x256xf32, #tpu.memory_space<vmem>>, vector<1x256xf32>
      %mul3A_205 = arith.mulf %max3A_201, %get3A_204 : vector<1x256xf32>
      %reduce_sum3A_206 = arith.constant dense<0.000000e+00> : vector<1xf32>
      %reduce_sum3A_207 = vector.multi_reduction <add>, %mul3A_205, %reduce_sum3A_206 [1] : vector<1x256xf32> to vector<1xf32>
      %broadcast_in_dim3A = vector.shape_cast %reduce_sum3A_207 : vector<1xf32> to vector<1x1xf32>
      %get3A_208 = arith.constant 0 : index
      %get3A_209 = arith.constant 0 : index
      %get3A_210 = vector.load %arg13[%get3A_208, %get3A_209] : memref<1x1xf32, #tpu.memory_space<vmem>>, vector<1x1xf32>
      %add3A_211 = arith.addf %broadcast_in_dim3A, %get3A_210 : vector<1x1xf32>
      %swap3A_212 = arith.constant 0 : index
      %swap3A_213 = arith.constant 0 : index
      %swap3A_214 = vector.load %arg15[%swap3A_212, %swap3A_213] : memref<1x1xf32, #tpu.memory_space<vmem>>, vector<1x1xf32>
      tpu.vector_store %arg15[%swap3A_212, %swap3A_213], %add3A_211 {strides = array<i32>} : memref<1x1xf32, #tpu.memory_space<vmem>>, vector<1x1xf32>,
    } else {
    }
    return
  }
  func.func @transform_0(%arg0: i32) -> (i32, i32, i32) {
    %c0_i32 = arith.constant 0 : i32
    %c0_i32_0 = arith.constant 0 : i32
    %c0_i32_1 = arith.constant 0 : i32
    return %c0_i32, %arg0, %c0_i32_0 : i32, i32, i32
  }
  func.func @transform_1(%arg0: i32) -> (i32, i32, i32) {
    %c0_i32 = arith.constant 0 : i32
    %c0_i32_0 = arith.constant 0 : i32
    %c0_i32_1 = arith.constant 0 : i32
    return %c0_i32, %arg0, %c0_i32_0 : i32, i32, i32
  }
  func.func @transform_2(%arg0: i32) -> (i32, i32) {
    %c0_i32 = arith.constant 0 : i32
    %c0_i32_0 = arith.constant 0 : i32
    return %arg0, %c0_i32 : i32, i32
  }
  func.func @transform_3(%arg0: i32) -> (i32, i32) {
    %c0_i32 = arith.constant 0 : i32
    %c0_i32_0 = arith.constant 0 : i32
    %c0_i32_1 = arith.constant 0 : i32
    return %c0_i32, %c0_i32_0 : i32, i32
  }
  func.func @transform_4(%arg0: i32) -> (i32, i32) {
    %c0_i32 = arith.constant 0 : i32
    %c0_i32_0 = arith.constant 0 : i32
    %c0_i32_1 = arith.constant 0 : i32
    return %c0_i32, %c0_i32_0 : i32, i32
  }
  func.func @transform_5(%arg0: i32) -> (i32, i32) {
    %c0_i32 = arith.constant 0 : i32
    %c0_i32_0 = arith.constant 0 : i32
    %c0_i32_1 = arith.constant 0 : i32
    return %c0_i32, %c0_i32_0 : i32, i32
  }
  func.func @transform_6(%arg0: i32) -> (i32, i32) {
    %c0_i32 = arith.constant 0 : i32
    %c0_i32_0 = arith.constant 0 : i32
    %c0_i32_1 = arith.constant 0 : i32
    return %c0_i32, %c0_i32_0 : i32, i32
  }
  func.func @transform_7(%arg0: i32) -> (i32, i32) {
    %c0_i32 = arith.constant 0 : i32
    %c0_i32_0 = arith.constant 0 : i32
    %c0_i32_1 = arith.constant 0 : i32
    return %c0_i32, %c0_i32_0 : i32, i32
  }
  func.func @transform_8(%arg0: i32) -> (i32, i32) {
    %c0_i32 = arith.constant 0 : i32
    %c0_i32_0 = arith.constant 0 : i32
    %c0_i32_1 = arith.constant 0 : i32
    return %c0_i32, %c0_i32_0 : i32, i32
  }
  func.func @transform_9(%arg0: i32) -> (i32, i32) {
    %c0_i32 = arith.constant 0 : i32
    %c0_i32_0 = arith.constant 0 : i32
    %c0_i32_1 = arith.constant 0 : i32
    return %c0_i32, %c0_i32_0 : i32, i32
  }
  func.func @transform_10(%arg0: i32) -> (i32, i32) {
    %c0_i32 = arith.constant 0 : i32
    %c0_i32_0 = arith.constant 0 : i32
    %c0_i32_1 = arith.constant 0 : i32
    return %c0_i32, %c0_i32_0 : i32, i32
  }
  func.func @transform_11(%arg0: i32) -> (i32, i32) {
    %c0_i32 = arith.constant 0 : i32
    %c0_i32_0 = arith.constant 0 : i32
    %c0_i32_1 = arith.constant 0 : i32
    return %c0_i32, %c0_i32_0 : i32, i32
  }
  func.func @transform_12(%arg0: i32) -> (i32, i32) {
    %c0_i32 = arith.constant 0 : i32
    %c0_i32_0 = arith.constant 0 : i32
    %c0_i32_1 = arith.constant 0 : i32
    return %c0_i32, %c0_i32_0 : i32, i32
  }
  func.func @transform_13(%arg0: i32) -> (i32, i32) {
    %c0_i32 = arith.constant 0 : i32
    %c0_i32_0 = arith.constant 0 : i32
    %c0_i32_1 = arith.constant 0 : i32
    return %c0_i32, %c0_i32_0 : i32, i32
  }
  func.func @transform_14(%arg0: i32) -> (i32, i32) {
    %c0_i32 = arith.constant 0 : i32
    %c0_i32_0 = arith.constant 0 : i32
    %c0_i32_1 = arith.constant 0 : i32
    return %c0_i32, %c0_i32_0 : i32, i32
  }
}

</mosaic_0001>

<sc_bundles>
// kernel: kernel.11.cloned.1.call-start
scs
__scs_entry_jumppad:
0x0: {  	(pc) =	sbr.rel $0x88, $3  }
0x1: {  	(tag) =	ssettag $0x0;
	lr =	simm.s32 $0x1  }
0x2: {  	[smem:$0x3F8F] =	sst lr;
	_ =	strace $0xD0000000  }
0x3: {  	_ = 	snop  }
0x4: {  	_ = 	snop  }
0x5: {  	_ = 	snop  }
0x6: {  	_ = 	snop  }
0x7: {  	_ = 	snop  }
__scs_overlays_trampoline_lowered:
0x8: {  	[smem:$0x3F9E] =	sst s0  }
0x9: {  	[smem:$0x3F9F] =	sst s1  }
0xa: {  	[smem:$0x3FA0] =	sst s2  }
0xb: {  	[smem:$0x3FA1] =	sst s3  }
0xc: {  	[smem:$0x3FA2] =	sst s4  }
0xd: {  	[smem:$0x3FA3] =	sst s5  }
0xe: {  	[smem:$0x3FA4] =	sst s6  }
0xf: {  	[smem:$0x3FA5] =	sst s7  }
0x10: {  	[smem:$0x3FA6] =	sst s8  }
0x11: {  	[smem:$0x3FA7] =	sst s9;
	s0 =	simm.s32 @!p0 $0x0  }
0x12: {  	s1 =	sld [smem:$0x3F8D];
	s0 =	simm.s32 @p0 $0x1  }
0x13: {  	[smem:$0x3FA8] =	sst s0;
	s0 =	simm.s32 @!p1 $0x0  }
0x14: {  	s2 =	sld [smem:$0x3F8C];
	s0 =	simm.s32 @p1 $0x1  }
0x15: {  	[smem:$0x3FA9] =	sst s0;
	s0 =	simm.s32 @!p2 $0x0  }
0x16: {  	s3 =	sld [smem:$0x3FDB];
	s0 =	simm.s32 @p2 $0x1  }
0x17: {  	s4 =	simm.s32 $0x1BF5;
	[smem:$0x3FAB] =	sst s0  }
0x18: {  	s0 =	sld [smem:$0x3F8E];
	_ =	swait.ge [sflag:s4], $0x0  }
0x19: {  	s7 =	sld [smem:$0x3F8F]  }
0x1a: {  	s8 =	sadd.s32 $0xFFFFE003, lr  }
0x1b: {  	s9 =	sadd.s32 $0xFFFFFEF7, lr;
	s5 =	simm.s32 $0xFFFFFFFF;
	p2 =	slt.u32 s8, $0xFFFFF086  }
0x1c: {  	p1 =	slt.u32 s9, $0xF7A;
	s5 =	simm.s32 @!p2 $0x0  }
0x1d: {  	s5 =	simm.s32 @p1 $0x1;
	p0 =	seq.s32 s7, s2  }
0x1e: {  	s7 =	smul.u32 @!p0 $0xF7A, s2;
	p2 =	seq.s32 @!p0 s5, $0x0  }
0x1f: {  	s9 =	smul.u32 $0xF7A, s1;
	s8 =	simm.s32 @!p0 $0x1BF5;
	p2 =	por !p2, p0  }
0x20: {  	[sflag:s8] =	ssyncset.s32 @!p0 $0xFFFFF086;
	s6 =	sadd.s32 @!p0 s3, s7;
	s7 =	simm.s32 @!p0 $0x108  }
0x21: {  	s3 =	sadd.s32 s3, s9;
	s6 =	sadd.s32 @!p0 $0x88, s6;
	s7 =	simm.s32 @p2 $0x1082  }
0x22: {  	[simem:s7], [sflag:s8] =	dma.local @!p0 [hbm:s6], $0xF7A  }
0x23: {  	s9 =	sor.u32 $0xD0000000, s2;
	s6 =	simm.s32 $0x108;
	_ =	swait.ge @!p0 [sflag:s8], $0x0  }
0x24: {  	s3 =	sadd.s32 $0x88, s3;
	s6 =	simm.s32 @!p1 $0x1082;
	[sflag:s4] =	ssyncset.s32 $0xFFFFF086  }
0x25: {  	[simem:s6], [sflag:s4] =	dma.local [hbm:s3], $0xF7A  }
0x26: {  	[smem:$0x3F8F] =	sst s1;
	(tag) =	ssettag s2;
	_ =	strace s9  }
0x27: {  	s1 =	sld [smem:$0x3F9F]  }
0x28: {  	s2 =	sld [smem:$0x3FA0]  }
0x29: {  	s4 =	sld [smem:$0x3FA2]  }
0x2a: {  	p0 =	seq.s32 s5, $0x0;
	s5 =	sld [smem:$0x3FA3]  }
0x2b: {  	s6 =	sld [smem:$0x3FA4]  }
0x2c: {  	s7 =	sld [smem:$0x3FA5]  }
0x2d: {  	s3 =	simm.s32 $0x108;
	s8 =	sld [smem:$0x3FA6]  }
0x2e: {  	s3 =	simm.s32 @!p0 $0x1082;
	s9 =	sld [smem:$0x3FA7]  }
0x2f: {  	lr =	sadd.s32 s0, s3;
	s0 =	sld [smem:$0x3F9E]  }
0x30: {  	s3 =	sld [smem:$0x3FA1]  }
0x31: {  	[smem:$0x3FAA] =	sst s10  }
0x32: {  	s10 =	sld [smem:$0x3FA8];
	_ =	sdelay $0x3  }
0x33: {  	p0 =	seq.s32 s10, $0x1;
	s10 =	sld [smem:$0x3FAA];
	_ =	sdelay $0x3  }
0x34: {  	[smem:$0x3FAA] =	sst s10  }
0x35: {  	s10 =	sld [smem:$0x3FA9];
	_ =	sdelay $0x3  }
0x36: {  	p1 =	seq.s32 s10, $0x1;
	s10 =	sld [smem:$0x3FAA];
	_ =	sdelay $0x3  }
0x37: {  	[smem:$0x3FAA] =	sst s10  }
0x38: {  	s10 =	sld [smem:$0x3FAB]  }
0x39: {  	_ = 	snop;
	(pc) =	sbr.ind lr, $3  }
0x3a: {  	_ = 	snop  }
0x3b: {  	_ = 	snop  }
0x3c: {  	p2 =	seq.s32 s10, $0x1;
	s10 =	sld [smem:$0x3FAA]  }
0x3d: {  	_ =	shalt  }
0x3e: {  	_ =	shalt  }
0x3f: {  	_ =	shalt  }
0x40: {  	_ =	shalt  }
0x41: {  	_ =	shalt  }
0x42: {  	_ =	shalt  }
0x43: {  	_ =	shalt  }
0x44: {  	_ =	shalt  }
0x45: {  	_ =	shalt  }
0x46: {  	_ =	shalt  }
0x47: {  	_ =	shalt  }
0x48: {  	_ =	shalt  }
0x49: {  	_ =	shalt  }
0x4a: {  	_ =	shalt  }
0x4b: {  	_ =	shalt  }
0x4c: {  	_ =	shalt  }
0x4d: {  	_ =	shalt  }
0x4e: {  	_ =	shalt  }
0x4f: {  	_ =	shalt  }
0x50: {  	_ =	shalt  }
0x51: {  	_ =	shalt  }
0x52: {  	_ =	shalt  }
0x53: {  	_ =	shalt  }
0x54: {  	_ =	shalt  }
0x55: {  	_ =	shalt  }
0x56: {  	_ =	shalt  }
0x57: {  	_ =	shalt  }
0x58: {  	_ =	shalt  }
0x59: {  	_ =	shalt  }
0x5a: {  	_ =	shalt  }
0x5b: {  	_ =	shalt  }
0x5c: {  	_ =	shalt  }
0x5d: {  	_ =	shalt  }
0x5e: {  	_ =	shalt  }
0x5f: {  	_ =	shalt  }
0x60: {  	_ =	shalt  }
0x61: {  	_ =	shalt  }
0x62: {  	_ =	shalt  }
0x63: {  	_ =	shalt  }
0x64: {  	_ =	shalt  }
0x65: {  	_ =	shalt  }
0x66: {  	_ =	shalt  }
0x67: {  	_ =	shalt  }
0x68: {  	_ =	shalt  }
0x69: {  	_ =	shalt  }
0x6a: {  	_ =	shalt  }
0x6b: {  	_ =	shalt  }
0x6c: {  	_ =	shalt  }
0x6d: {  	_ =	shalt  }
0x6e: {  	_ =	shalt  }
0x6f: {  	_ =	shalt  }
0x70: {  	_ =	shalt  }
0x71: {  	_ =	shalt  }
0x72: {  	_ =	shalt  }
0x73: {  	_ =	shalt  }
0x74: {  	_ =	shalt  }
0x75: {  	_ =	shalt  }
0x76: {  	_ =	shalt  }
0x77: {  	_ =	shalt  }
0x78: {  	_ =	shalt  }
0x79: {  	_ =	shalt  }
0x7a: {  	_ =	shalt  }
0x7b: {  	_ =	shalt  }
0x7c: {  	_ =	shalt  }
0x7d: {  	_ =	shalt  }
0x7e: {  	_ =	shalt  }
0x7f: {  	_ =	shalt  }
0x80: {  	_ =	shalt  }
0x81: {  	_ =	shalt  }
0x82: {  	_ =	shalt  }
0x83: {  	_ =	shalt  }
0x84: {  	_ =	shalt  }
0x85: {  	_ =	shalt  }
0x86: {  	_ =	shalt  }
0x87: {  	_ =	shalt  }
.Lfunc_end0:
.L_simem_size_0:
called_computation.1_lowered:
.L_overlay_start_0:
0x88: {  	s2 =	sld [smem:$0x3FD9]  }
0x89: {  	s3 =	sld [smem:$0x3FFE];
	_ =	sdelay $0x1  }
0x8a: {  	s1 =	srdreg.scid  }
0x8b: {  	s0 =	sand.u32 $0x1, s1  }
0x8c: {  	s16 =	sshll.u32 s0, $0xA;
	s2 =	sadd.s32 s3, s2  }
0x8d: {  	s2 =	sadd.s32 s2, s16  }
0x8e: {  	[smem:$0x3FB6] =	sst s2  }
0x8f: {  	_ = 	snop  }
0x90: {  	(tm) =	ssettm $0x1  }
0x91: {  	s17 =	sld [smem:$0x3FFB];
	_ =	sdelay $0x3  }
0x92: {  	_ =	strace s17  }
0x93: {  	s2 =	sld [smem:$0x3FFC];
	_ =	sdelay $0x3  }
0x94: {  	_ =	strace s2  }
0x95: {  	s2 =	sld [smem:$0x3FFD];
	_ =	sdelay $0x3  }
0x96: {  	_ =	strace s2  }
0x97: {  	_ =	strace $0x8FFFFFFF  }
0x98: {  	s18 =	sld [smem:$0x3FDB];
	_ =	sdelay $0x1  }
0x99: {  	s19 =	simm.s32 $_scs_section_size  }
0x9a: {  	s4 =	simm.s32 $_size__tile_overlayer_lowered;
	s5 =	simm.s32 $_tile_overlayer_lowered  }
0x9b: {  	s22 =	simm.s32 $0x1BFF;
	s21 =	sshll.u32 s5, $0x1;
	s2 =	sadd.s32 s19, s18  }
0x9c: {  	s6 =	simm.s32 $0x0;
	s20 =	sshll.u32 s4, $0x1;
	s4 =	sadd.s32 s21, s2  }
0x9d: {  	[timem:s6], [sflag:s22] =	dma.local [hbm:s4], s20  }
0x9e: {  	_ =	swait.ge [sflag:s22], s20  }
0x9f: {  	s3 =	ssub.s32 $0x0, s20;
	[sflag:s22] =	ssyncset.done $0x0  }
0xa0: {  	[sflag:s22] =	ssyncadd.s32 s3;
	_ =	sdelay $0x1  }
0xa1: {  	s23 =	simm.s32 $0x1B8B  }
0xa2: {  	_ =	swait.ge [sflag:s23], $0x1  }
0xa3: {  	[sflag:s23] =	ssyncset.done $0x0  }
0xa4: {  	s25 =	simm.s32 $0x1B8E;
	s24 =	sld [smem:$0x3FFE];
	[sflag:s23] =	ssyncadd.s32 $0xFFFFFFFF  }
0xa5: {  	s26 =	simm.s32 $execute0_lowered;
	[smem:$0x3FD2] =	sst s25  }
0xa6: {  	s4 =	sshll.u32 s26, $0x1;
	_ =	strace $0x80000046;
	[dreg:$0x1] =	wrdreg $0xFFFFFFFF  }
0xa7: {  	s28 =	simm.s32 $_size_execute0_lowered;
	s2 =	sadd.s32 s2, s4;
	[dreg:$0x0] =	wrdreg $0x0  }
0xa8: {  	s4 =	sshll.u32 s28, $0x1;
	[dreg:$0x2] =	wrdreg s2  }
0xa9: {  	[dreg:$0x3] =	wrdreg s4  }
0xaa: {  	[dreg:$0x4] =	wrdreg $0xC0  }
0xab: {  	_ =	task [dreg:s6], $0x5FFFF  }
0xac: {  	[dreg:$0x1] =	wrdreg $0xFFFFFFFF  }
0xad: {  	[dreg:$0x0] =	wrdreg $0x60  }
0xae: {  	[dreg:$0x2] =	wrdreg s24  }
0xaf: {  	[dreg:$0x3] =	wrdreg $0x82000  }
0xb0: {  	[dreg:$0x4] =	wrdreg $0xA  }
0xb1: {  	_ =	task.clear_ibuf [dreg:s6], $0x5FFFF;
	_ =	strace $0x90000046  }
0xb2: {  	s29 =	simm.s32 $0xA;
	_ =	strace $0x80000048  }
0xb3: {  	_ =	swait.ge [sflag:s29], $0x1  }
0xb4: {  	[sflag:s29] =	ssyncadd.s32 $0xFFFFFFFF  }
0xb5: {  	_ =	strace $0x90000048  }
0xb6: {  	_ =	sfence  }
0xb7: {  	s30 =	sld [smem:$0x0];
	_ =	sdelay $0x2  }
0xb8: {  	s31 =	sshll.u32 s1, $0xD;
	s1 =	sshrl.u32 s1, $0x2  }
0xb9: {  	s3 =	sand.u32 $0x4000, s31;
	s1 =	sadd.s32 s1, s30  }
0xba: {  	s0 =	sor.u32 s3, s0;
	s1 =	sshll.u32 s1, $0x11  }
0xbb: {  	s0 =	sor.u32 s1, s0  }
0xbc: {  	s0 =	sadd.s32 $0x8F2B, s0  }
0xbd: {  	[sflag:s0] =	ssyncadd.remote.s32 $0x1  }
0xbe: {  	_ =	sfence.sel $0xFFFF  }
0xbf: {  	[dreg:$0x0] =	wrdreg $0xFFFFFFFF;
	(pc) =	sbr.abs _section_cstart, $3  }
0xc0: {  	[dreg:$0x1] =	wrdreg $0xFFFFFFFF  }
0xc1: {  	_ =	task.clear_ibuf [dreg:s6], $0x2FFFF;
	_ =	strace $0x9FFFFFFF  }
0xc2: {  	(tm) =	ssettm $0x7FFFFFFF  }
0xc3: {  	_ =	shalt  }
tec
execute0_lowered:
.L_overlay_start_1:
0x0: {  	(tag) =	ssettag $0x1  }
0x1: {  	s6 =	rddreg [dreg:$0x0]  }
0x2: {  	s1 =	rddreg [dreg:$0x1]  }
0x3: {  	s0 =	rddreg [dreg:$0x2];
	s3 =	srdreg.scid  }
0x4: {  	s2 =	simm.s32 $0x0;
	s15 =	simm.s32 $0x1;
	s7 =	sand.u32 $0x1, s3  }
0x5: {  	s16 =	simm.s32 $0x180;
	s3 =	stileid.u32;
	s8 =	smul.u32 $0x140000, s7  }
0x6: {  	s17 =	simm.s32 $0x4200;
	s18 =	simm.s32 $0x0;
	s9 =	smul.u32 $0x14000, s3  }
0x7: {  	[smem:$0x7FF] =	sst s2;
	s4 =	sadd.s32 $0x16400, s6;
	s12 =	smul.u32 $0x50000, s3  }
0x8: {  	s5 =	sshll.u32 s7, $0x4;
	s28 =	ssub.s32 $0x2, s7;
	s7 =	smul.u32 $0x50000, s7  }
0x9: {  	s10 =	sadd.s32 $0x2400, s6;
	_ =	strace $0x80000047;
	s14 =	smul.u32 $0x5000, s3  }
0xa: {  	s29 =	sshll.u32 s3, $0x6;
	s11 =	sor.u32 s3, s5;
	s5 =	sadd.s32 $0x3D600, s6  }
0xb: {  	s13 =	sshrl.u32 s28, $0x1;
	s8 =	sadd.s32 s9, s8;
	s26 =	smul.u32 $0x5000, s11  }
0xc: {  	s12 =	sshrl.u32 s12, $0x2;
	s11 =	ssub.s32 s28, s13;
	s30 =	sadd.s32 s14, s7  }
0xd: {  	s14 =	simm.s32 $0x200;
	s8 =	sshrl.u32 s8, $0x3;
	s12 =	sadd.s32 s12, s1  }
0xe: {  	s13 =	sor.u32 $0x100, s30;
	s8 =	sadd.s32 s8, s6;
	s9 =	sshrl.u32 s26, $0x3  }
0xf: {  	s6 =	sor.u32 $0x1C02, s29;
	s31 =	sshrl.u32 s13, $0x3;
	s13 =	simm.s32 $0x7D  }
0x10: {  	s7 =	sadd.s32 s10, s9;
	s8 =	sadd.s32 $0x3FE00, s8;
	s9 =	smax.u32 s11, $0x1  }
0x11: {  	s10 =	sadd.s32 s31, s10;
	s11 =	sshrl.u32 s12, $0x3;
	s12 =	simm.s32 $0x2  }
.LBB2_1:
0x12: {  	[spmem:s11], [sflag:s6] =	dma.local [hbm:s5], $0x2800  }
0x13: {  	_ =	swait.ge [sflag:s12], $0x2800  }
0x14: {  	[sflag:s12] =	ssyncset.done $0x0  }
0x15: {  	[sflag:s12] =	ssyncadd.s32 $0xFFFFD800  }
0x16: {  	[bflag:$0x0] =	sbarrier.arrive $0xFFFF  }
0x17: {  	[tilespmem:s2], [sflag:$0x2] =	stream.linear.gather [hbm4b:s7+s2], $0x100, $0x38;
	[tilespmem:$0x1C200] =	vst v63  }
0x18: {  	_ =	swait.ge [sflag:s12], $0x100  }
0x19: {  	[sflag:s12] =	ssyncset.done $0x0  }
0x1a: {  	s19 =	simm.s32 $0x0;
	[sflag:s12] =	ssyncadd.s32 $0xFFFFFF00  }
0x1b: {  	[tilespmem:s14], [sflag:$0x2] =	stream.indirect.gather [hbm4b:s4+s13], $0x80, s2, s13, $0xb8;
	[tilespmem:$0x1C200] =	vst v63  }
0x1c: {  	s21 =	sand.u32 $0x1, s15;
	s19 =	sand.u32 $0x1, s19;
	_ =	swait.ge [sflag:s12], $0x3E80  }
0x1d: {  	s20 =	sshll.u32 s19, $0xE;
	s19 =	sshll.u32 s19, $0x8;
	[sflag:s12] =	ssyncset.done $0x0  }
0x1e: {  	s20 =	sor.u32 $0x200, s20;
	s19 =	sor.u32 $0x80, s19;
	[sflag:s12] =	ssyncadd.s32 $0xFFFFC180  }
0x1f: {  	[spmem:s1] =	stream.indirect.scatter.add.f32 [tilespmem:s20], [sflag:$0x1], $0x80, s19, s13, $0xb8;
	[tilespmem:$0x1C200] =	vst v63  }
0x20: {  	s29 =	sshll.u32 s21, $0x8  }
0x21: {  	[tilespmem:s29], [sflag:$0x2] =	stream.linear.gather [hbm4b:s10+s2], $0x100, $0x38;
	[tilespmem:$0x1C200] =	vst v63  }
0x22: {  	_ =	swait.ge [sflag:s12], $0x100  }
0x23: {  	s30 =	sshll.u32 s21, $0xE;
	[sflag:s12] =	ssyncset.done $0x0  }
0x24: {  	s20 =	sor.u32 $0x200, s30;
	[sflag:s12] =	ssyncadd.s32 $0xFFFFFF00  }
0x25: {  	[tilespmem:s20], [sflag:$0x2] =	stream.indirect.gather [hbm4b:s4+s13], $0x80, s29, s13, $0xb8;
	[tilespmem:$0x1C200] =	vst v63  }
0x26: {  	_ =	swait.ge [sflag:s12], $0x3E80  }
0x27: {  	s31 =	simm.s32 $0x2;
	s22 =	simm.s32 $0x1;
	[sflag:s12] =	ssyncset.done $0x0  }
0x28: {  	s21 =	simm.s32 $0x3;
	s23 =	sand.u32 $0x1, s22;
	[sflag:s12] =	ssyncadd.s32 $0xFFFFC180  }
0x29: {  	s22 =	sshll.u32 s23, $0xE;
	s23 =	sshll.u32 s23, $0x8;
	_ =	swait.ge [sflag:s15], $0x3E80  }
0x2a: {  	s19 =	sadd.s32 $0x20, s10;
	s20 =	sand.u32 $0x1, s31;
	[sflag:s15] =	ssyncset.done $0x0  }
.LBB2_2:
0x2b: {  	s22 =	sor.u32 $0x200, s22  }
0x2c: {  	s23 =	sor.u32 $0x80, s23;
	[sflag:s15] =	ssyncadd.s32 $0xFFFFC180;
	s24 =	smov.u32 s21  }
0x2d: {  	[spmem:s1] =	stream.indirect.scatter.add.f32 [tilespmem:s22], [sflag:$0x1], $0x80, s23, s13, $0xb8;
	[tilespmem:$0x1C200] =	vst v63  }
0x2e: {  	s25 =	sadd.s32 $0x1, s21;
	s22 =	sshll.u32 s20, $0x8;
	s20 =	sshll.u32 s20, $0xE  }
0x2f: {  	[tilespmem:s22], [sflag:$0x2] =	stream.linear.gather [hbm4b:s19+s2], $0x100, $0x38;
	[tilespmem:$0x1C200] =	vst v63  }
0x30: {  	p0 =	sne.s32 s21, $0x4F;
	_ =	swait.ge [sflag:s12], $0x100  }
0x31: {  	[sflag:s12] =	ssyncset.done $0x0  }
0x32: {  	s20 =	sor.u32 $0x200, s20;
	[sflag:s12] =	ssyncadd.s32 $0xFFFFFF00  }
0x33: {  	[tilespmem:s20], [sflag:$0x2] =	stream.indirect.gather [hbm4b:s4+s13], $0x80, s22, s13, $0xb8;
	[tilespmem:$0x1C200] =	vst v63  }
.Ltmp0:
0x34: {  	_ =	swait.ge [sflag:s12], $0x3E80;
	(pc) =	sbr.rel @p0 .LBB2_2-.Ltmp0, $4  }
0x35: {  	s20 =	sadd.s32 $0xFFFFFFFF, s24;
	[sflag:s12] =	ssyncset.done $0x0  }
0x36: {  	s19 =	sadd.s32 $0x20, s19;
	s21 =	sand.u32 $0x1, s20;
	[sflag:s12] =	ssyncadd.s32 $0xFFFFC180  }
0x37: {  	s20 =	sand.u32 $0x1, s24;
	s22 =	sshll.u32 s21, $0xE;
	_ =	swait.ge [sflag:s15], $0x3E80  }
0x38: {  	s23 =	sshll.u32 s21, $0x8;
	s21 =	smov.u32 s25;
	[sflag:s15] =	ssyncset.done $0x0  }
0x39: {  	s21 =	sor.u32 $0x200, s22;
	s29 =	sor.u32 $0x80, s23;
	[sflag:s15] =	ssyncadd.s32 $0xFFFFC180  }
0x3a: {  	[spmem:s1] =	stream.indirect.scatter.add.f32 [tilespmem:s21], [sflag:$0x1], $0x80, s29, s13, $0xb8;
	[tilespmem:$0x1C200] =	vst v63  }
0x3b: {  	s30 =	sshll.u32 s20, $0x8  }
0x3c: {  	[tilespmem:s30], [sflag:$0x2] =	stream.linear.gather [hbm4b:s19+s2], $0x100, $0x38;
	[tilespmem:$0x1C200] =	vst v63  }
0x3d: {  	_ =	swait.ge [sflag:s12], $0x100  }
0x3e: {  	s31 =	sshll.u32 s20, $0xE;
	[sflag:s12] =	ssyncset.done $0x0  }
0x3f: {  	s19 =	sor.u32 $0x200, s31;
	[sflag:s12] =	ssyncadd.s32 $0xFFFFFF00  }
0x40: {  	[tilespmem:s19], [sflag:$0x2] =	stream.indirect.gather [hbm4b:s4+s13], $0x80, s30, s13, $0xb8;
	[tilespmem:$0x1C200] =	vst v63  }
0x41: {  	_ =	swait.ge [sflag:s12], $0x3E80  }
0x42: {  	[sflag:s12] =	ssyncset.done $0x0  }
0x43: {  	[sflag:s12] =	ssyncadd.s32 $0xFFFFC180  }
0x44: {  	_ =	swait.ge [sflag:s15], $0x3E80  }
0x45: {  	[sflag:s15] =	ssyncset.done $0x0  }
0x46: {  	[sflag:s15] =	ssyncadd.s32 $0xFFFFC180  }
0x47: {  	[spmem:s1] =	stream.indirect.scatter.add.f32 [tilespmem:s17], [sflag:$0x1], $0x80, s16, s13, $0xb8;
	[tilespmem:$0x1C200] =	vst v63  }
0x48: {  	_ =	swait.ge [sflag:s15], $0x3E80  }
0x49: {  	s18 =	sadd.s32 $0x1, s18;
	[sflag:s15] =	ssyncset.done $0x0  }
0x4a: {  	p0 =	sne.s32 s18, s9;
	[sflag:s15] =	ssyncadd.s32 $0xFFFFC180  }
.Ltmp1:
0x4b: {  	[bflag:$0x0] =	sbarrier.arrive $0xFFFF;
	(pc) =	sbr.rel @p0 .LBB2_1-.Ltmp1, $4  }
0x4c: {  	[hbm:s8], [sflag:s6] =	dma.local [spmem:s11], $0x2800  }
0x4d: {  	_ =	swait.ge [sflag:s12], $0x2800  }
0x4e: {  	[sflag:s12] =	ssyncset.done $0x0  }
0x4f: {  	[sflag:s12] =	ssyncadd.s32 $0xFFFFD800  }
0x50: {  	_ =	sfence.sel $0x180000  }
0x51: {  	[bflag:$0x0] =	sbarrier.arrive $0xFFFF  }
0x52: {  	p0 =	sne.s32 s3, $0x0;
	_ =	strace $0x90000047  }
0x53: {  	s0 =	sadd.s32 @!p0 $0x100000, s0;
	[bflag:$0x2] =	sbarrier.arrive $0xFFFF  }
0x54: {  	[sflag:s0] =	ssyncadd.tile.s32 @!p0 $0x1;
	_ =	shalt  }
.Lfunc_end2:
_tile_overlayer_lowered:
.L_overlay_start_2:
0x55: {  	(tag) =	ssettag $0x2  }
0x56: {  	s0 =	rddreg [dreg:$0x0];
	s2 =	stileid.u32  }
0x57: {  	s1 =	rddreg [dreg:$0x1];
	p0 =	sne.s32 s2, $0x0  }
0x58: {  	s3 =	rddreg [dreg:$0x2];
	[bflag:$0x3] =	sbarrier.arrive $0xFFFF;
	s2 =	simm.s32 @!p0 $0x1C02  }
0x59: {  	[timem:s3], [sflag:s2] =	dma.local @!p0 [hbm:s0], s1  }
0x5a: {  	s0 =	simm.s32 @!p0 $0x2  }
0x5b: {  	_ =	swait.ge @!p0 [sflag:s0], s1  }
0x5c: {  	s1 =	ssub.s32 @!p0 $0x0, s1;
	[sflag:s0] =	ssyncset.done @!p0 $0x0  }
0x5d: {  	[sflag:s0] =	ssyncadd.s32 @!p0 s1  }
0x5e: {  	[bflag:$0x3] =	sbarrier.arrive $0xFFFF  }
0x5f: {  	_ =	shalt  }

// kernel: kernel.14.cloned.1.call-start
scs
__scs_entry_jumppad:
0x0: {  	(pc) =	sbr.rel $0x88, $3  }
0x1: {  	(tag) =	ssettag $0x0;
	lr =	simm.s32 $0x1  }
0x2: {  	[smem:$0x3F8F] =	sst lr;
	_ =	strace $0xD0000000  }
0x3: {  	_ = 	snop  }
0x4: {  	_ = 	snop  }
0x5: {  	_ = 	snop  }
0x6: {  	_ = 	snop  }
0x7: {  	_ = 	snop  }
__scs_overlays_trampoline_lowered:
0x8: {  	[smem:$0x3F9E] =	sst s0  }
0x9: {  	[smem:$0x3F9F] =	sst s1  }
0xa: {  	[smem:$0x3FA0] =	sst s2  }
0xb: {  	[smem:$0x3FA1] =	sst s3  }
0xc: {  	[smem:$0x3FA2] =	sst s4  }
0xd: {  	[smem:$0x3FA3] =	sst s5  }
0xe: {  	[smem:$0x3FA4] =	sst s6  }
0xf: {  	[smem:$0x3FA5] =	sst s7  }
0x10: {  	[smem:$0x3FA6] =	sst s8  }
0x11: {  	[smem:$0x3FA7] =	sst s9;
	s0 =	simm.s32 @!p0 $0x0  }
0x12: {  	s1 =	sld [smem:$0x3F8D];
	s0 =	simm.s32 @p0 $0x1  }
0x13: {  	[smem:$0x3FA8] =	sst s0;
	s0 =	simm.s32 @!p1 $0x0  }
0x14: {  	s2 =	sld [smem:$0x3F8C];
	s0 =	simm.s32 @p1 $0x1  }
0x15: {  	[smem:$0x3FA9] =	sst s0;
	s0 =	simm.s32 @!p2 $0x0  }
0x16: {  	s3 =	sld [smem:$0x3FDB];
	s0 =	simm.s32 @p2 $0x1  }
0x17: {  	s4 =	simm.s32 $0x1BF5;
	[smem:$0x3FAB] =	sst s0  }
0x18: {  	s0 =	sld [smem:$0x3F8E];
	_ =	swait.ge [sflag:s4], $0x0  }
0x19: {  	s7 =	sld [smem:$0x3F8F]  }
0x1a: {  	s8 =	sadd.s32 $0xFFFFE003, lr  }
0x1b: {  	s9 =	sadd.s32 $0xFFFFFEF7, lr;
	s5 =	simm.s32 $0xFFFFFFFF;
	p2 =	slt.u32 s8, $0xFFFFF086  }
0x1c: {  	p1 =	slt.u32 s9, $0xF7A;
	s5 =	simm.s32 @!p2 $0x0  }
0x1d: {  	s5 =	simm.s32 @p1 $0x1;
	p0 =	seq.s32 s7, s2  }
0x1e: {  	s7 =	smul.u32 @!p0 $0xF7A, s2;
	p2 =	seq.s32 @!p0 s5, $0x0  }
0x1f: {  	s9 =	smul.u32 $0xF7A, s1;
	s8 =	simm.s32 @!p0 $0x1BF5;
	p2 =	por !p2, p0  }
0x20: {  	[sflag:s8] =	ssyncset.s32 @!p0 $0xFFFFF086;
	s6 =	sadd.s32 @!p0 s3, s7;
	s7 =	simm.s32 @!p0 $0x108  }
0x21: {  	s3 =	sadd.s32 s3, s9;
	s6 =	sadd.s32 @!p0 $0x88, s6;
	s7 =	simm.s32 @p2 $0x1082  }
0x22: {  	[simem:s7], [sflag:s8] =	dma.local @!p0 [hbm:s6], $0xF7A  }
0x23: {  	s9 =	sor.u32 $0xD0000000, s2;
	s6 =	simm.s32 $0x108;
	_ =	swait.ge @!p0 [sflag:s8], $0x0  }
0x24: {  	s3 =	sadd.s32 $0x88, s3;
	s6 =	simm.s32 @!p1 $0x1082;
	[sflag:s4] =	ssyncset.s32 $0xFFFFF086  }
0x25: {  	[simem:s6], [sflag:s4] =	dma.local [hbm:s3], $0xF7A  }
0x26: {  	[smem:$0x3F8F] =	sst s1;
	(tag) =	ssettag s2;
	_ =	strace s9  }
0x27: {  	s1 =	sld [smem:$0x3F9F]  }
0x28: {  	s2 =	sld [smem:$0x3FA0]  }
0x29: {  	s4 =	sld [smem:$0x3FA2]  }
0x2a: {  	p0 =	seq.s32 s5, $0x0;
	s5 =	sld [smem:$0x3FA3]  }
0x2b: {  	s6 =	sld [smem:$0x3FA4]  }
0x2c: {  	s7 =	sld [smem:$0x3FA5]  }
0x2d: {  	s3 =	simm.s32 $0x108;
	s8 =	sld [smem:$0x3FA6]  }
0x2e: {  	s3 =	simm.s32 @!p0 $0x1082;
	s9 =	sld [smem:$0x3FA7]  }
0x2f: {  	lr =	sadd.s32 s0, s3;
	s0 =	sld [smem:$0x3F9E]  }
0x30: {  	s3 =	sld [smem:$0x3FA1]  }
0x31: {  	[smem:$0x3FAA] =	sst s10  }
0x32: {  	s10 =	sld [smem:$0x3FA8];
	_ =	sdelay $0x3  }
0x33: {  	p0 =	seq.s32 s10, $0x1;
	s10 =	sld [smem:$0x3FAA];
	_ =	sdelay $0x3  }
0x34: {  	[smem:$0x3FAA] =	sst s10  }
0x35: {  	s10 =	sld [smem:$0x3FA9];
	_ =	sdelay $0x3  }
0x36: {  	p1 =	seq.s32 s10, $0x1;
	s10 =	sld [smem:$0x3FAA];
	_ =	sdelay $0x3  }
0x37: {  	[smem:$0x3FAA] =	sst s10  }
0x38: {  	s10 =	sld [smem:$0x3FAB]  }
0x39: {  	_ = 	snop;
	(pc) =	sbr.ind lr, $3  }
0x3a: {  	_ = 	snop  }
0x3b: {  	_ = 	snop  }
0x3c: {  	p2 =	seq.s32 s10, $0x1;
	s10 =	sld [smem:$0x3FAA]  }
0x3d: {  	_ =	shalt  }
0x3e: {  	_ =	shalt  }
0x3f: {  	_ =	shalt  }
0x40: {  	_ =	shalt  }
0x41: {  	_ =	shalt  }
0x42: {  	_ =	shalt  }
0x43: {  	_ =	shalt  }
0x44: {  	_ =	shalt  }
0x45: {  	_ =	shalt  }
0x46: {  	_ =	shalt  }
0x47: {  	_ =	shalt  }
0x48: {  	_ =	shalt  }
0x49: {  	_ =	shalt  }
0x4a: {  	_ =	shalt  }
0x4b: {  	_ =	shalt  }
0x4c: {  	_ =	shalt  }
0x4d: {  	_ =	shalt  }
0x4e: {  	_ =	shalt  }
0x4f: {  	_ =	shalt  }
0x50: {  	_ =	shalt  }
0x51: {  	_ =	shalt  }
0x52: {  	_ =	shalt  }
0x53: {  	_ =	shalt  }
0x54: {  	_ =	shalt  }
0x55: {  	_ =	shalt  }
0x56: {  	_ =	shalt  }
0x57: {  	_ =	shalt  }
0x58: {  	_ =	shalt  }
0x59: {  	_ =	shalt  }
0x5a: {  	_ =	shalt  }
0x5b: {  	_ =	shalt  }
0x5c: {  	_ =	shalt  }
0x5d: {  	_ =	shalt  }
0x5e: {  	_ =	shalt  }
0x5f: {  	_ =	shalt  }
0x60: {  	_ =	shalt  }
0x61: {  	_ =	shalt  }
0x62: {  	_ =	shalt  }
0x63: {  	_ =	shalt  }
0x64: {  	_ =	shalt  }
0x65: {  	_ =	shalt  }
0x66: {  	_ =	shalt  }
0x67: {  	_ =	shalt  }
0x68: {  	_ =	shalt  }
0x69: {  	_ =	shalt  }
0x6a: {  	_ =	shalt  }
0x6b: {  	_ =	shalt  }
0x6c: {  	_ =	shalt  }
0x6d: {  	_ =	shalt  }
0x6e: {  	_ =	shalt  }
0x6f: {  	_ =	shalt  }
0x70: {  	_ =	shalt  }
0x71: {  	_ =	shalt  }
0x72: {  	_ =	shalt  }
0x73: {  	_ =	shalt  }
0x74: {  	_ =	shalt  }
0x75: {  	_ =	shalt  }
0x76: {  	_ =	shalt  }
0x77: {  	_ =	shalt  }
0x78: {  	_ =	shalt  }
0x79: {  	_ =	shalt  }
0x7a: {  	_ =	shalt  }
0x7b: {  	_ =	shalt  }
0x7c: {  	_ =	shalt  }
0x7d: {  	_ =	shalt  }
0x7e: {  	_ =	shalt  }
0x7f: {  	_ =	shalt  }
0x80: {  	_ =	shalt  }
0x81: {  	_ =	shalt  }
0x82: {  	_ =	shalt  }
0x83: {  	_ =	shalt  }
0x84: {  	_ =	shalt  }
0x85: {  	_ =	shalt  }
0x86: {  	_ =	shalt  }
0x87: {  	_ =	shalt  }
.Lfunc_end0:
.L_simem_size_0:
called_computation.2_lowered:
.L_overlay_start_0:
0x88: {  	s2 =	sld [smem:$0x3FD9]  }
0x89: {  	s3 =	sld [smem:$0x3FFE];
	_ =	sdelay $0x1  }
0x8a: {  	s1 =	srdreg.scid  }
0x8b: {  	s0 =	sand.u32 $0x1, s1  }
0x8c: {  	s17 =	sshll.u32 s0, $0xA;
	s2 =	sadd.s32 s3, s2  }
0x8d: {  	s2 =	sadd.s32 s2, s17  }
0x8e: {  	[smem:$0x3FB6] =	sst s2  }
0x8f: {  	_ = 	snop  }
0x90: {  	(tm) =	ssettm $0x1  }
0x91: {  	s18 =	sld [smem:$0x3FFB];
	_ =	sdelay $0x3  }
0x92: {  	_ =	strace s18  }
0x93: {  	s2 =	sld [smem:$0x3FFC];
	_ =	sdelay $0x3  }
0x94: {  	_ =	strace s2  }
0x95: {  	s2 =	sld [smem:$0x3FFD];
	_ =	sdelay $0x3  }
0x96: {  	_ =	strace s2  }
0x97: {  	_ =	strace $0x8FFFFFFF  }
0x98: {  	s19 =	sld [smem:$0x3FDB];
	_ =	sdelay $0x1  }
0x99: {  	s20 =	simm.s32 $_scs_section_size  }
0x9a: {  	s4 =	simm.s32 $_size__tile_overlayer_lowered;
	s5 =	simm.s32 $_tile_overlayer_lowered  }
0x9b: {  	s6 =	simm.s32 $0x1BFF;
	s21 =	sshll.u32 s5, $0x1;
	s3 =	sadd.s32 s20, s19  }
0x9c: {  	s22 =	simm.s32 $0x0;
	s4 =	sshll.u32 s4, $0x1;
	s5 =	sadd.s32 s21, s3  }
0x9d: {  	[timem:s22], [sflag:s6] =	dma.local [hbm:s5], s4  }
0x9e: {  	_ =	swait.ge [sflag:s6], s4  }
0x9f: {  	s4 =	ssub.s32 $0x0, s4;
	[sflag:s6] =	ssyncset.done $0x0  }
0xa0: {  	[sflag:s6] =	ssyncadd.s32 s4;
	_ =	sdelay $0x1  }
0xa1: {  	s23 =	simm.s32 $0x1B8B  }
0xa2: {  	_ =	swait.ge [sflag:s23], $0x1  }
0xa3: {  	[sflag:s23] =	ssyncset.done $0x0  }
0xa4: {  	[sflag:s23] =	ssyncadd.s32 $0xFFFFFFFF  }
0xa5: {  	s4 =	sld [smem:$0x0]  }
0xa6: {  	s5 =	sand.u32 $0xFFFFFFFE, s1  }
0xa7: {  	p0 =	sne.s32 s1, s5  }
0xa8: {  	s5 =	sshll.u32 @p0 s5, $0xE  }
0xa9: {  	s5 =	sadd.s32 @p0 $0x11B8D, s5;
	s6 =	sshll.u32 @p0 s4, $0x11  }
0xaa: {  	s5 =	sor.u32 @p0 s6, s5  }
0xab: {  	[sflag:s5] =	ssyncadd.remote.s32 @p0 $0x1;
	_ =	sdelay $0x1  }
0xac: {  	s5 =	simm.s32 @p0 $0x1B8D  }
0xad: {  	_ =	swait.eq @p0 [sflag:s5], $0x1  }
0xae: {  	[sflag:s5] =	ssyncadd.s32 @p0 $0xFFFFFFFF  }
0xaf: {  	s6 =	sshll.u32 @!p0 s1, $0xE  }
0xb0: {  	s6 =	sor.u32 @!p0 $0x4000, s6;
	s5 =	simm.s32 @!p0 $0x1B8D  }
0xb1: {  	s4 =	sshll.u32 @!p0 s4, $0x11;
	s6 =	sadd.s32 @!p0 $0x11B8D, s6;
	_ =	swait.eq @!p0 [sflag:s5], $0x1  }
0xb2: {  	s4 =	sor.u32 @!p0 s4, s6;
	[sflag:s5] =	ssyncadd.s32 @!p0 $0xFFFFFFFF  }
0xb3: {  	s25 =	simm.s32 $0x1B8E;
	s24 =	sld [smem:$0x3FFE];
	[sflag:s4] =	ssyncadd.remote.s32 @!p0 $0x1  }
0xb4: {  	s26 =	simm.s32 $execute0_lowered;
	[smem:$0x3FD2] =	sst s25  }
0xb5: {  	s5 =	sshll.u32 s26, $0x1;
	_ =	strace $0x8000004C;
	[dreg:$0x1] =	wrdreg $0xFFFFFFFF  }
0xb6: {  	s28 =	simm.s32 $_size_execute0_lowered;
	s3 =	sadd.s32 s3, s5;
	[dreg:$0x0] =	wrdreg $0x0  }
0xb7: {  	s5 =	sshll.u32 s28, $0x1;
	[dreg:$0x2] =	wrdreg s3  }
0xb8: {  	[dreg:$0x3] =	wrdreg s5  }
0xb9: {  	[dreg:$0x4] =	wrdreg $0xC0  }
0xba: {  	_ =	task [dreg:s22], $0x5FFFF  }
0xbb: {  	[dreg:$0x1] =	wrdreg $0xFFFFFFFF  }
0xbc: {  	[dreg:$0x0] =	wrdreg $0x60  }
0xbd: {  	[dreg:$0x2] =	wrdreg s24  }
0xbe: {  	[dreg:$0x3] =	wrdreg $0x82000  }
0xbf: {  	[dreg:$0x4] =	wrdreg $0xA  }
0xc0: {  	_ =	task.clear_ibuf [dreg:s22], $0x5FFFF;
	_ =	strace $0x9000004C  }
0xc1: {  	s29 =	simm.s32 $0xA;
	_ =	strace $0x8000004E  }
0xc2: {  	_ =	swait.ge [sflag:s29], $0x1  }
0xc3: {  	[sflag:s29] =	ssyncadd.s32 $0xFFFFFFFF  }
0xc4: {  	_ =	strace $0x9000004E  }
0xc5: {  	_ =	sfence  }
0xc6: {  	s30 =	sld [smem:$0x0];
	_ =	sdelay $0x2  }
0xc7: {  	s31 =	sshll.u32 s1, $0xD;
	s1 =	sshrl.u32 s1, $0x2  }
0xc8: {  	s4 =	sand.u32 $0x4000, s31;
	s1 =	sadd.s32 s1, s30  }
0xc9: {  	s0 =	sor.u32 s4, s0;
	s1 =	sshll.u32 s1, $0x11  }
0xca: {  	s0 =	sor.u32 s1, s0  }
0xcb: {  	s0 =	sadd.s32 $0x8F2B, s0  }
0xcc: {  	[sflag:s0] =	ssyncadd.remote.s32 $0x1  }
0xcd: {  	_ =	sfence.sel $0xFFFF  }
0xce: {  	[dreg:$0x0] =	wrdreg $0xFFFFFFFF;
	(pc) =	sbr.abs _section_cstart, $3  }
0xcf: {  	[dreg:$0x1] =	wrdreg $0xFFFFFFFF  }
0xd0: {  	_ =	task.clear_ibuf [dreg:s22], $0x2FFFF;
	_ =	strace $0x9FFFFFFF  }
0xd1: {  	(tm) =	ssettm $0x7FFFFFFF  }
tec
execute0_lowered:
.L_overlay_start_1:
0x0: {  	(tag) =	ssettag $0x1  }
0x1: {  	s6 =	rddreg [dreg:$0x0]  }
0x2: {  	s1 =	rddreg [dreg:$0x1]  }
0x3: {  	s0 =	rddreg [dreg:$0x2];
	s3 =	srdreg.scid  }
0x4: {  	s2 =	simm.s32 $0x0;
	s15 =	simm.s32 $0x1;
	s7 =	sand.u32 $0x1, s3  }
0x5: {  	s16 =	simm.s32 $0x180;
	s3 =	stileid.u32;
	s8 =	smul.u32 $0x140000, s7  }
0x6: {  	s17 =	simm.s32 $0x4200;
	s18 =	simm.s32 $0x0;
	s9 =	smul.u32 $0x14000, s3  }
0x7: {  	[smem:$0x7FF] =	sst s2;
	s4 =	sadd.s32 $0x16400, s6;
	s12 =	smul.u32 $0x50000, s3  }
0x8: {  	s5 =	sshll.u32 s7, $0x4;
	s28 =	ssub.s32 $0x2, s7;
	s7 =	smul.u32 $0x50000, s7  }
0x9: {  	s10 =	sadd.s32 $0x2400, s6;
	_ =	strace $0x8000004D;
	s14 =	smul.u32 $0x5000, s3  }
0xa: {  	s29 =	sshll.u32 s3, $0x6;
	s11 =	sor.u32 s3, s5;
	s5 =	sadd.s32 $0x3D600, s6  }
0xb: {  	s13 =	sshrl.u32 s28, $0x1;
	s8 =	sadd.s32 s9, s8;
	s26 =	smul.u32 $0x5000, s11  }
0xc: {  	s12 =	sshrl.u32 s12, $0x2;
	s11 =	ssub.s32 s28, s13;
	s30 =	sadd.s32 s14, s7  }
0xd: {  	s14 =	simm.s32 $0x200;
	s8 =	sshrl.u32 s8, $0x3;
	s12 =	sadd.s32 s12, s1  }
0xe: {  	s13 =	sor.u32 $0x100, s30;
	s8 =	sadd.s32 s8, s6;
	s9 =	sshrl.u32 s26, $0x3  }
0xf: {  	s6 =	sor.u32 $0x1C02, s29;
	s31 =	sshrl.u32 s13, $0x3;
	s13 =	simm.s32 $0x7D  }
0x10: {  	s7 =	sadd.s32 s10, s9;
	s8 =	sadd.s32 $0x3FE00, s8;
	s9 =	smax.u32 s11, $0x1  }
0x11: {  	s10 =	sadd.s32 s31, s10;
	s11 =	sshrl.u32 s12, $0x3;
	s12 =	simm.s32 $0x2  }
.LBB2_1:
0x12: {  	[spmem:s11], [sflag:s6] =	dma.local [hbm:s5], $0x2800  }
0x13: {  	_ =	swait.ge [sflag:s12], $0x2800  }
0x14: {  	[sflag:s12] =	ssyncset.done $0x0  }
0x15: {  	[sflag:s12] =	ssyncadd.s32 $0xFFFFD800  }
0x16: {  	[bflag:$0x0] =	sbarrier.arrive $0xFFFF  }
0x17: {  	[tilespmem:s2], [sflag:$0x2] =	stream.linear.gather [hbm4b:s7+s2], $0x100, $0x38;
	[tilespmem:$0x1C200] =	vst v63  }
0x18: {  	_ =	swait.ge [sflag:s12], $0x100  }
0x19: {  	[sflag:s12] =	ssyncset.done $0x0  }
0x1a: {  	s19 =	simm.s32 $0x0;
	[sflag:s12] =	ssyncadd.s32 $0xFFFFFF00  }
0x1b: {  	[tilespmem:s14], [sflag:$0x2] =	stream.indirect.gather [hbm4b:s4+s13], $0x80, s2, s13, $0xb8;
	[tilespmem:$0x1C200] =	vst v63  }
0x1c: {  	s21 =	sand.u32 $0x1, s15;
	s19 =	sand.u32 $0x1, s19;
	_ =	swait.ge [sflag:s12], $0x3E80  }
0x1d: {  	s20 =	sshll.u32 s19, $0xE;
	s19 =	sshll.u32 s19, $0x8;
	[sflag:s12] =	ssyncset.done $0x0  }
0x1e: {  	s20 =	sor.u32 $0x200, s20;
	s19 =	sor.u32 $0x80, s19;
	[sflag:s12] =	ssyncadd.s32 $0xFFFFC180  }
0x1f: {  	[spmem:s1] =	stream.indirect.scatter.add.f32 [tilespmem:s20], [sflag:$0x1], $0x80, s19, s13, $0xb8;
	[tilespmem:$0x1C200] =	vst v63  }
0x20: {  	s29 =	sshll.u32 s21, $0x8  }
0x21: {  	[tilespmem:s29], [sflag:$0x2] =	stream.linear.gather [hbm4b:s10+s2], $0x100, $0x38;
	[tilespmem:$0x1C200] =	vst v63  }
0x22: {  	_ =	swait.ge [sflag:s12], $0x100  }
0x23: {  	s30 =	sshll.u32 s21, $0xE;
	[sflag:s12] =	ssyncset.done $0x0  }
0x24: {  	s20 =	sor.u32 $0x200, s30;
	[sflag:s12] =	ssyncadd.s32 $0xFFFFFF00  }
0x25: {  	[tilespmem:s20], [sflag:$0x2] =	stream.indirect.gather [hbm4b:s4+s13], $0x80, s29, s13, $0xb8;
	[tilespmem:$0x1C200] =	vst v63  }
0x26: {  	_ =	swait.ge [sflag:s12], $0x3E80  }
0x27: {  	s31 =	simm.s32 $0x2;
	s22 =	simm.s32 $0x1;
	[sflag:s12] =	ssyncset.done $0x0  }
0x28: {  	s21 =	simm.s32 $0x3;
	s23 =	sand.u32 $0x1, s22;
	[sflag:s12] =	ssyncadd.s32 $0xFFFFC180  }
0x29: {  	s22 =	sshll.u32 s23, $0xE;
	s23 =	sshll.u32 s23, $0x8;
	_ =	swait.ge [sflag:s15], $0x3E80  }
0x2a: {  	s19 =	sadd.s32 $0x20, s10;
	s20 =	sand.u32 $0x1, s31;
	[sflag:s15] =	ssyncset.done $0x0  }
.LBB2_2:
0x2b: {  	s22 =	sor.u32 $0x200, s22  }
0x2c: {  	s23 =	sor.u32 $0x80, s23;
	[sflag:s15] =	ssyncadd.s32 $0xFFFFC180;
	s24 =	smov.u32 s21  }
0x2d: {  	[spmem:s1] =	stream.indirect.scatter.add.f32 [tilespmem:s22], [sflag:$0x1], $0x80, s23, s13, $0xb8;
	[tilespmem:$0x1C200] =	vst v63  }
0x2e: {  	s25 =	sadd.s32 $0x1, s21;
	s22 =	sshll.u32 s20, $0x8;
	s20 =	sshll.u32 s20, $0xE  }
0x2f: {  	[tilespmem:s22], [sflag:$0x2] =	stream.linear.gather [hbm4b:s19+s2], $0x100, $0x38;
	[tilespmem:$0x1C200] =	vst v63  }
0x30: {  	p0 =	sne.s32 s21, $0x4F;
	_ =	swait.ge [sflag:s12], $0x100  }
0x31: {  	[sflag:s12] =	ssyncset.done $0x0  }
0x32: {  	s20 =	sor.u32 $0x200, s20;
	[sflag:s12] =	ssyncadd.s32 $0xFFFFFF00  }
0x33: {  	[tilespmem:s20], [sflag:$0x2] =	stream.indirect.gather [hbm4b:s4+s13], $0x80, s22, s13, $0xb8;
	[tilespmem:$0x1C200] =	vst v63  }
.Ltmp0:
0x34: {  	_ =	swait.ge [sflag:s12], $0x3E80;
	(pc) =	sbr.rel @p0 .LBB2_2-.Ltmp0, $4  }
0x35: {  	s20 =	sadd.s32 $0xFFFFFFFF, s24;
	[sflag:s12] =	ssyncset.done $0x0  }
0x36: {  	s19 =	sadd.s32 $0x20, s19;
	s21 =	sand.u32 $0x1, s20;
	[sflag:s12] =	ssyncadd.s32 $0xFFFFC180  }
0x37: {  	s20 =	sand.u32 $0x1, s24;
	s22 =	sshll.u32 s21, $0xE;
	_ =	swait.ge [sflag:s15], $0x3E80  }
0x38: {  	s23 =	sshll.u32 s21, $0x8;
	s21 =	smov.u32 s25;
	[sflag:s15] =	ssyncset.done $0x0  }
0x39: {  	s21 =	sor.u32 $0x200, s22;
	s29 =	sor.u32 $0x80, s23;
	[sflag:s15] =	ssyncadd.s32 $0xFFFFC180  }
0x3a: {  	[spmem:s1] =	stream.indirect.scatter.add.f32 [tilespmem:s21], [sflag:$0x1], $0x80, s29, s13, $0xb8;
	[tilespmem:$0x1C200] =	vst v63  }
0x3b: {  	s30 =	sshll.u32 s20, $0x8  }
0x3c: {  	[tilespmem:s30], [sflag:$0x2] =	stream.linear.gather [hbm4b:s19+s2], $0x100, $0x38;
	[tilespmem:$0x1C200] =	vst v63  }
0x3d: {  	_ =	swait.ge [sflag:s12], $0x100  }
0x3e: {  	s31 =	sshll.u32 s20, $0xE;
	[sflag:s12] =	ssyncset.done $0x0  }
0x3f: {  	s19 =	sor.u32 $0x200, s31;
	[sflag:s12] =	ssyncadd.s32 $0xFFFFFF00  }
0x40: {  	[tilespmem:s19], [sflag:$0x2] =	stream.indirect.gather [hbm4b:s4+s13], $0x80, s30, s13, $0xb8;
	[tilespmem:$0x1C200] =	vst v63  }
0x41: {  	_ =	swait.ge [sflag:s12], $0x3E80  }
0x42: {  	[sflag:s12] =	ssyncset.done $0x0  }
0x43: {  	[sflag:s12] =	ssyncadd.s32 $0xFFFFC180  }
0x44: {  	_ =	swait.ge [sflag:s15], $0x3E80  }
0x45: {  	[sflag:s15] =	ssyncset.done $0x0  }
0x46: {  	[sflag:s15] =	ssyncadd.s32 $0xFFFFC180  }
0x47: {  	[spmem:s1] =	stream.indirect.scatter.add.f32 [tilespmem:s17], [sflag:$0x1], $0x80, s16, s13, $0xb8;
	[tilespmem:$0x1C200] =	vst v63  }
0x48: {  	_ =	swait.ge [sflag:s15], $0x3E80  }
0x49: {  	s18 =	sadd.s32 $0x1, s18;
	[sflag:s15] =	ssyncset.done $0x0  }
0x4a: {  	p0 =	sne.s32 s18, s9;
	[sflag:s15] =	ssyncadd.s32 $0xFFFFC180  }
.Ltmp1:
0x4b: {  	[bflag:$0x0] =	sbarrier.arrive $0xFFFF;
	(pc) =	sbr.rel @p0 .LBB2_1-.Ltmp1, $4  }
0x4c: {  	[hbm:s8], [sflag:s6] =	dma.local [spmem:s11], $0x2800  }
0x4d: {  	_ =	swait.ge [sflag:s12], $0x2800  }
0x4e: {  	[sflag:s12] =	ssyncset.done $0x0  }
0x4f: {  	[sflag:s12] =	ssyncadd.s32 $0xFFFFD800  }
0x50: {  	_ =	sfence.sel $0x180000  }
0x51: {  	[bflag:$0x0] =	sbarrier.arrive $0xFFFF  }
0x52: {  	p0 =	sne.s32 s3, $0x0;
	_ =	strace $0x9000004D  }
0x53: {  	s0 =	sadd.s32 @!p0 $0x100000, s0;
	[bflag:$0x2] =	sbarrier.arrive $0xFFFF  }
0x54: {  	[sflag:s0] =	ssyncadd.tile.s32 @!p0 $0x1;
	_ =	shalt  }
.Lfunc_end2:
_tile_overlayer_lowered:
.L_overlay_start_2:
0x55: {  	(tag) =	ssettag $0x2  }
0x56: {  	s0 =	rddreg [dreg:$0x0];
	s2 =	stileid.u32  }
0x57: {  	s1 =	rddreg [dreg:$0x1];
	p0 =	sne.s32 s2, $0x0  }
0x58: {  	s3 =	rddreg [dreg:$0x2];
	[bflag:$0x3] =	sbarrier.arrive $0xFFFF;
	s2 =	simm.s32 @!p0 $0x1C02  }
0x59: {  	[timem:s3], [sflag:s2] =	dma.local @!p0 [hbm:s0], s1  }
0x5a: {  	s0 =	simm.s32 @!p0 $0x2  }
0x5b: {  	_ =	swait.ge @!p0 [sflag:s0], s1  }
0x5c: {  	s1 =	ssub.s32 @!p0 $0x0, s1;
	[sflag:s0] =	ssyncset.done @!p0 $0x0  }
0x5d: {  	[sflag:s0] =	ssyncadd.s32 @!p0 s1  }
0x5e: {  	[bflag:$0x3] =	sbarrier.arrive $0xFFFF  }
0x5f: {  	_ =	shalt  }

// kernel: kernel.8.cloned.1.call-start
scs
__scs_entry_jumppad:
0x0: {  	(pc) =	sbr.rel $0x88, $3  }
0x1: {  	(tag) =	ssettag $0x0;
	lr =	simm.s32 $0x1  }
0x2: {  	[smem:$0x3F8F] =	sst lr;
	_ =	strace $0xD0000000  }
0x3: {  	_ = 	snop  }
0x4: {  	_ = 	snop  }
0x5: {  	_ = 	snop  }
0x6: {  	_ = 	snop  }
0x7: {  	_ = 	snop  }
__scs_overlays_trampoline_lowered:
0x8: {  	[smem:$0x3F9E] =	sst s0  }
0x9: {  	[smem:$0x3F9F] =	sst s1  }
0xa: {  	[smem:$0x3FA0] =	sst s2  }
0xb: {  	[smem:$0x3FA1] =	sst s3  }
0xc: {  	[smem:$0x3FA2] =	sst s4  }
0xd: {  	[smem:$0x3FA3] =	sst s5  }
0xe: {  	[smem:$0x3FA4] =	sst s6  }
0xf: {  	[smem:$0x3FA5] =	sst s7  }
0x10: {  	[smem:$0x3FA6] =	sst s8  }
0x11: {  	[smem:$0x3FA7] =	sst s9;
	s0 =	simm.s32 @!p0 $0x0  }
0x12: {  	s1 =	sld [smem:$0x3F8D];
	s0 =	simm.s32 @p0 $0x1  }
0x13: {  	[smem:$0x3FA8] =	sst s0;
	s0 =	simm.s32 @!p1 $0x0  }
0x14: {  	s2 =	sld [smem:$0x3F8C];
	s0 =	simm.s32 @p1 $0x1  }
0x15: {  	[smem:$0x3FA9] =	sst s0;
	s0 =	simm.s32 @!p2 $0x0  }
0x16: {  	s3 =	sld [smem:$0x3FDB];
	s0 =	simm.s32 @p2 $0x1  }
0x17: {  	s4 =	simm.s32 $0x1BF5;
	[smem:$0x3FAB] =	sst s0  }
0x18: {  	s0 =	sld [smem:$0x3F8E];
	_ =	swait.ge [sflag:s4], $0x0  }
0x19: {  	s7 =	sld [smem:$0x3F8F]  }
0x1a: {  	s8 =	sadd.s32 $0xFFFFE003, lr  }
0x1b: {  	s9 =	sadd.s32 $0xFFFFFEF7, lr;
	s5 =	simm.s32 $0xFFFFFFFF;
	p2 =	slt.u32 s8, $0xFFFFF086  }
0x1c: {  	p1 =	slt.u32 s9, $0xF7A;
	s5 =	simm.s32 @!p2 $0x0  }
0x1d: {  	s5 =	simm.s32 @p1 $0x1;
	p0 =	seq.s32 s7, s2  }
0x1e: {  	s7 =	smul.u32 @!p0 $0xF7A, s2;
	p2 =	seq.s32 @!p0 s5, $0x0  }
0x1f: {  	s9 =	smul.u32 $0xF7A, s1;
	s8 =	simm.s32 @!p0 $0x1BF5;
	p2 =	por !p2, p0  }
0x20: {  	[sflag:s8] =	ssyncset.s32 @!p0 $0xFFFFF086;
	s6 =	sadd.s32 @!p0 s3, s7;
	s7 =	simm.s32 @!p0 $0x108  }
0x21: {  	s3 =	sadd.s32 s3, s9;
	s6 =	sadd.s32 @!p0 $0x88, s6;
	s7 =	simm.s32 @p2 $0x1082  }
0x22: {  	[simem:s7], [sflag:s8] =	dma.local @!p0 [hbm:s6], $0xF7A  }
0x23: {  	s9 =	sor.u32 $0xD0000000, s2;
	s6 =	simm.s32 $0x108;
	_ =	swait.ge @!p0 [sflag:s8], $0x0  }
0x24: {  	s3 =	sadd.s32 $0x88, s3;
	s6 =	simm.s32 @!p1 $0x1082;
	[sflag:s4] =	ssyncset.s32 $0xFFFFF086  }
0x25: {  	[simem:s6], [sflag:s4] =	dma.local [hbm:s3], $0xF7A  }
0x26: {  	[smem:$0x3F8F] =	sst s1;
	(tag) =	ssettag s2;
	_ =	strace s9  }
0x27: {  	s1 =	sld [smem:$0x3F9F]  }
0x28: {  	s2 =	sld [smem:$0x3FA0]  }
0x29: {  	s4 =	sld [smem:$0x3FA2]  }
0x2a: {  	p0 =	seq.s32 s5, $0x0;
	s5 =	sld [smem:$0x3FA3]  }
0x2b: {  	s6 =	sld [smem:$0x3FA4]  }
0x2c: {  	s7 =	sld [smem:$0x3FA5]  }
0x2d: {  	s3 =	simm.s32 $0x108;
	s8 =	sld [smem:$0x3FA6]  }
0x2e: {  	s3 =	simm.s32 @!p0 $0x1082;
	s9 =	sld [smem:$0x3FA7]  }
0x2f: {  	lr =	sadd.s32 s0, s3;
	s0 =	sld [smem:$0x3F9E]  }
0x30: {  	s3 =	sld [smem:$0x3FA1]  }
0x31: {  	[smem:$0x3FAA] =	sst s10  }
0x32: {  	s10 =	sld [smem:$0x3FA8];
	_ =	sdelay $0x3  }
0x33: {  	p0 =	seq.s32 s10, $0x1;
	s10 =	sld [smem:$0x3FAA];
	_ =	sdelay $0x3  }
0x34: {  	[smem:$0x3FAA] =	sst s10  }
0x35: {  	s10 =	sld [smem:$0x3FA9];
	_ =	sdelay $0x3  }
0x36: {  	p1 =	seq.s32 s10, $0x1;
	s10 =	sld [smem:$0x3FAA];
	_ =	sdelay $0x3  }
0x37: {  	[smem:$0x3FAA] =	sst s10  }
0x38: {  	s10 =	sld [smem:$0x3FAB]  }
0x39: {  	_ = 	snop;
	(pc) =	sbr.ind lr, $3  }
0x3a: {  	_ = 	snop  }
0x3b: {  	_ = 	snop  }
0x3c: {  	p2 =	seq.s32 s10, $0x1;
	s10 =	sld [smem:$0x3FAA]  }
0x3d: {  	_ =	shalt  }
0x3e: {  	_ =	shalt  }
0x3f: {  	_ =	shalt  }
0x40: {  	_ =	shalt  }
0x41: {  	_ =	shalt  }
0x42: {  	_ =	shalt  }
0x43: {  	_ =	shalt  }
0x44: {  	_ =	shalt  }
0x45: {  	_ =	shalt  }
0x46: {  	_ =	shalt  }
0x47: {  	_ =	shalt  }
0x48: {  	_ =	shalt  }
0x49: {  	_ =	shalt  }
0x4a: {  	_ =	shalt  }
0x4b: {  	_ =	shalt  }
0x4c: {  	_ =	shalt  }
0x4d: {  	_ =	shalt  }
0x4e: {  	_ =	shalt  }
0x4f: {  	_ =	shalt  }
0x50: {  	_ =	shalt  }
0x51: {  	_ =	shalt  }
0x52: {  	_ =	shalt  }
0x53: {  	_ =	shalt  }
0x54: {  	_ =	shalt  }
0x55: {  	_ =	shalt  }
0x56: {  	_ =	shalt  }
0x57: {  	_ =	shalt  }
0x58: {  	_ =	shalt  }
0x59: {  	_ =	shalt  }
0x5a: {  	_ =	shalt  }
0x5b: {  	_ =	shalt  }
0x5c: {  	_ =	shalt  }
0x5d: {  	_ =	shalt  }
0x5e: {  	_ =	shalt  }
0x5f: {  	_ =	shalt  }
0x60: {  	_ =	shalt  }
0x61: {  	_ =	shalt  }
0x62: {  	_ =	shalt  }
0x63: {  	_ =	shalt  }
0x64: {  	_ =	shalt  }
0x65: {  	_ =	shalt  }
0x66: {  	_ =	shalt  }
0x67: {  	_ =	shalt  }
0x68: {  	_ =	shalt  }
0x69: {  	_ =	shalt  }
0x6a: {  	_ =	shalt  }
0x6b: {  	_ =	shalt  }
0x6c: {  	_ =	shalt  }
0x6d: {  	_ =	shalt  }
0x6e: {  	_ =	shalt  }
0x6f: {  	_ =	shalt  }
0x70: {  	_ =	shalt  }
0x71: {  	_ =	shalt  }
0x72: {  	_ =	shalt  }
0x73: {  	_ =	shalt  }
0x74: {  	_ =	shalt  }
0x75: {  	_ =	shalt  }
0x76: {  	_ =	shalt  }
0x77: {  	_ =	shalt  }
0x78: {  	_ =	shalt  }
0x79: {  	_ =	shalt  }
0x7a: {  	_ =	shalt  }
0x7b: {  	_ =	shalt  }
0x7c: {  	_ =	shalt  }
0x7d: {  	_ =	shalt  }
0x7e: {  	_ =	shalt  }
0x7f: {  	_ =	shalt  }
0x80: {  	_ =	shalt  }
0x81: {  	_ =	shalt  }
0x82: {  	_ =	shalt  }
0x83: {  	_ =	shalt  }
0x84: {  	_ =	shalt  }
0x85: {  	_ =	shalt  }
0x86: {  	_ =	shalt  }
0x87: {  	_ =	shalt  }
.Lfunc_end0:
.L_simem_size_0:
called_computation_lowered:
.L_overlay_start_0:
0x88: {  	s2 =	sld [smem:$0x3FD9]  }
0x89: {  	s3 =	sld [smem:$0x3FFE];
	_ =	sdelay $0x1  }
0x8a: {  	s1 =	srdreg.scid  }
0x8b: {  	s0 =	sand.u32 $0x1, s1  }
0x8c: {  	s17 =	sshll.u32 s0, $0xA;
	s2 =	sadd.s32 s3, s2  }
0x8d: {  	s2 =	sadd.s32 s2, s17  }
0x8e: {  	[smem:$0x3FB6] =	sst s2  }
0x8f: {  	_ = 	snop  }
0x90: {  	(tm) =	ssettm $0x1  }
0x91: {  	s18 =	sld [smem:$0x3FFB];
	_ =	sdelay $0x3  }
0x92: {  	_ =	strace s18  }
0x93: {  	s2 =	sld [smem:$0x3FFC];
	_ =	sdelay $0x3  }
0x94: {  	_ =	strace s2  }
0x95: {  	s2 =	sld [smem:$0x3FFD];
	_ =	sdelay $0x3  }
0x96: {  	_ =	strace s2  }
0x97: {  	_ =	strace $0x8FFFFFFF  }
0x98: {  	s19 =	sld [smem:$0x3FDB];
	_ =	sdelay $0x1  }
0x99: {  	s20 =	simm.s32 $_scs_section_size  }
0x9a: {  	s4 =	simm.s32 $_size__tile_overlayer_lowered;
	s5 =	simm.s32 $_tile_overlayer_lowered  }
0x9b: {  	s6 =	simm.s32 $0x1BFF;
	s21 =	sshll.u32 s5, $0x1;
	s3 =	sadd.s32 s20, s19  }
0x9c: {  	s22 =	simm.s32 $0x0;
	s4 =	sshll.u32 s4, $0x1;
	s5 =	sadd.s32 s21, s3  }
0x9d: {  	[timem:s22], [sflag:s6] =	dma.local [hbm:s5], s4  }
0x9e: {  	_ =	swait.ge [sflag:s6], s4  }
0x9f: {  	s4 =	ssub.s32 $0x0, s4;
	[sflag:s6] =	ssyncset.done $0x0  }
0xa0: {  	[sflag:s6] =	ssyncadd.s32 s4;
	_ =	sdelay $0x1  }
0xa1: {  	s23 =	simm.s32 $0x1B8B  }
0xa2: {  	_ =	swait.ge [sflag:s23], $0x1  }
0xa3: {  	[sflag:s23] =	ssyncset.done $0x0  }
0xa4: {  	[sflag:s23] =	ssyncadd.s32 $0xFFFFFFFF  }
0xa5: {  	s4 =	sld [smem:$0x0]  }
0xa6: {  	s5 =	sand.u32 $0xFFFFFFFE, s1  }
0xa7: {  	p0 =	sne.s32 s1, s5  }
0xa8: {  	s5 =	sshll.u32 @p0 s5, $0xE  }
0xa9: {  	s5 =	sadd.s32 @p0 $0x11B8D, s5;
	s6 =	sshll.u32 @p0 s4, $0x11  }
0xaa: {  	s5 =	sor.u32 @p0 s6, s5  }
0xab: {  	[sflag:s5] =	ssyncadd.remote.s32 @p0 $0x1;
	_ =	sdelay $0x1  }
0xac: {  	s5 =	simm.s32 @p0 $0x1B8D  }
0xad: {  	_ =	swait.eq @p0 [sflag:s5], $0x1  }
0xae: {  	[sflag:s5] =	ssyncadd.s32 @p0 $0xFFFFFFFF  }
0xaf: {  	s6 =	sshll.u32 @!p0 s1, $0xE  }
0xb0: {  	s6 =	sor.u32 @!p0 $0x4000, s6;
	s5 =	simm.s32 @!p0 $0x1B8D  }
0xb1: {  	s4 =	sshll.u32 @!p0 s4, $0x11;
	s6 =	sadd.s32 @!p0 $0x11B8D, s6;
	_ =	swait.eq @!p0 [sflag:s5], $0x1  }
0xb2: {  	s4 =	sor.u32 @!p0 s4, s6;
	[sflag:s5] =	ssyncadd.s32 @!p0 $0xFFFFFFFF  }
0xb3: {  	s25 =	simm.s32 $0x1B8E;
	s24 =	sld [smem:$0x3FFE];
	[sflag:s4] =	ssyncadd.remote.s32 @!p0 $0x1  }
0xb4: {  	s26 =	simm.s32 $execute0_lowered;
	[smem:$0x3FD2] =	sst s25  }
0xb5: {  	s5 =	sshll.u32 s26, $0x1;
	_ =	strace $0x80000049;
	[dreg:$0x1] =	wrdreg $0xFFFFFFFF  }
0xb6: {  	s28 =	simm.s32 $_size_execute0_lowered;
	s3 =	sadd.s32 s3, s5;
	[dreg:$0x0] =	wrdreg $0x0  }
0xb7: {  	s5 =	sshll.u32 s28, $0x1;
	[dreg:$0x2] =	wrdreg s3  }
0xb8: {  	[dreg:$0x3] =	wrdreg s5  }
0xb9: {  	[dreg:$0x4] =	wrdreg $0xC0  }
0xba: {  	_ =	task [dreg:s22], $0x5FFFF  }
0xbb: {  	[dreg:$0x1] =	wrdreg $0xFFFFFFFF  }
0xbc: {  	[dreg:$0x0] =	wrdreg $0x60  }
0xbd: {  	[dreg:$0x2] =	wrdreg s24  }
0xbe: {  	[dreg:$0x3] =	wrdreg $0x68800  }
0xbf: {  	[dreg:$0x4] =	wrdreg $0x9  }
0xc0: {  	_ =	task.clear_ibuf [dreg:s22], $0x5FFFF;
	_ =	strace $0x90000049  }
0xc1: {  	s29 =	simm.s32 $0x9;
	_ =	strace $0x8000004B  }
0xc2: {  	_ =	swait.ge [sflag:s29], $0x1  }
0xc3: {  	[sflag:s29] =	ssyncadd.s32 $0xFFFFFFFF  }
0xc4: {  	_ =	strace $0x9000004B  }
0xc5: {  	_ =	sfence  }
0xc6: {  	s30 =	sld [smem:$0x0];
	_ =	sdelay $0x2  }
0xc7: {  	s31 =	sshll.u32 s1, $0xD;
	s1 =	sshrl.u32 s1, $0x2  }
0xc8: {  	s4 =	sand.u32 $0x4000, s31;
	s1 =	sadd.s32 s1, s30  }
0xc9: {  	s0 =	sor.u32 s4, s0;
	s1 =	sshll.u32 s1, $0x11  }
0xca: {  	s0 =	sor.u32 s1, s0  }
0xcb: {  	s0 =	sadd.s32 $0x8F2B, s0  }
0xcc: {  	[sflag:s0] =	ssyncadd.remote.s32 $0x1  }
0xcd: {  	_ =	sfence.sel $0xFFFF  }
0xce: {  	[dreg:$0x0] =	wrdreg $0xFFFFFFFF;
	(pc) =	sbr.abs _section_cstart, $3  }
0xcf: {  	[dreg:$0x1] =	wrdreg $0xFFFFFFFF  }
0xd0: {  	_ =	task.clear_ibuf [dreg:s22], $0x2FFFF;
	_ =	strace $0x9FFFFFFF  }
0xd1: {  	(tm) =	ssettm $0x7FFFFFFF  }
tec
execute0_lowered:
.L_overlay_start_1:
0x0: {  	(tag) =	ssettag $0x1  }
0x1: {  	s7 =	rddreg [dreg:$0x0]  }
0x2: {  	s0 =	srdreg.scid;
	s2 =	rddreg [dreg:$0x1];
	s3 =	simm.s32 $0x0  }
0x3: {  	s15 =	simm.s32 $0x0;
	s6 =	sand.u32 $0x1, s0;
	s0 =	stileid.u32  }
0x4: {  	[smem:$0x7FF] =	sst s3;
	s1 =	sshll.u32 s6, $0x4;
	s9 =	smul.u32 $0x140000, s6  }
0x5: {  	s5 =	sshll.u32 s0, $0x4;
	s10 =	smul.u32 $0x14000, s0;
	s6 =	ssub.s32 $0x2, s6  }
0x6: {  	s13 =	smul.u32 $0x50000, s0;
	s29 =	sshll.u32 s0, $0x6;
	s8 =	sor.u32 s0, s1  }
0x7: {  	s1 =	rddreg [dreg:$0x2];
	_ =	strace $0x8000004A;
	s5 =	sand.u32 $0x70, s5  }
0x8: {  	s25 =	sshrl.u32 s6, $0x1;
	s4 =	smul.u32 $0x500, s8;
	s12 =	sadd.s32 s5, s7  }
0x9: {  	s5 =	sadd.s32 $0x9A000, s7;
	s9 =	sadd.s32 s10, s9;
	s10 =	ssub.s32 s6, s25  }
0xa: {  	s26 =	sshll.u32 s8, $0x4;
	s28 =	sshrl.u32 s13, $0x2;
	s6 =	sor.u32 $0x1C01, s29  }
0xb: {  	s13 =	simm.s32 $0x2880;
	s9 =	sshrl.u32 s9, $0x3;
	s30 =	sand.u32 $0x180, s26  }
0xc: {  	s14 =	sadd.s32 s28, s2;
	s10 =	smax.u32 s10, $0x1;
	s11 =	sadd.s32 s4, s7  }
0xd: {  	s4 =	sadd.s32 $0x3D600, s7;
	s9 =	sadd.s32 s9, s7;
	s31 =	sadd.s32 s30, s12  }
0xe: {  	s12 =	simm.s32 $0x1;
	s7 =	sadd.s32 $0x90000, s11;
	s8 =	sadd.s32 $0x8FE00, s31  }
0xf: {  	s9 =	sadd.s32 $0x9A800, s9;
	s11 =	sshrl.u32 s14, $0x3;
	s14 =	simm.s32 $0x2800  }
.LBB2_1:
0x10: {  	[spmem:s11], [sflag:s6] =	dma.local [hbm:s4], $0x2800  }
0x11: {  	_ =	swait.ge [sflag:s12], $0x2800  }
0x12: {  	[sflag:s12] =	ssyncset.done $0x0  }
0x13: {  	[sflag:s12] =	ssyncadd.s32 $0xFFFFD800  }
0x14: {  	[tilespmem:s13], [sflag:$0x1] =	stream.linear.gather [hbm4b:s5+s3], $0x3E80, $0x38;
	[tilespmem:$0x1A880] =	vst v63  }
0x15: {  	_ =	swait.ge [sflag:s12], $0x3E80  }
0x16: {  	[sflag:s12] =	ssyncset.done $0x0  }
0x17: {  	[sflag:s12] =	ssyncadd.s32 $0xFFFFC180  }
0x18: {  	[tilespmem:s3], [sflag:$0x1] =	stream.linear.gather [hbm4b:s7+s3], $0x2800, $0x38;
	[tilespmem:$0x1A880] =	vst v63  }
0x19: {  	_ =	swait.ge [sflag:s12], $0x2800  }
0x1a: {  	[sflag:s12] =	ssyncset.done $0x0  }
0x1b: {  	[sflag:s12] =	ssyncadd.s32 $0xFFFFD800  }
0x1c: {  	[tilespmem:s14], [sflag:$0x1] =	stream.linear.gather [hbm4b:s8+s3], $0x80, $0x38;
	[tilespmem:$0x1A880] =	vst v63  }
0x1d: {  	_ =	swait.ge [sflag:s12], $0x80  }
0x1e: {  	[sflag:s12] =	ssyncset.done $0x0  }
0x1f: {  	[sflag:s12] =	ssyncadd.s32 $0xFFFFFF80  }
0x20: {  	s16 =	simm.s32 $0x0;
	[bflag:$0x0] =	sbarrier.arrive $0xFFFF  }
0x21: {  	v0 =	vld [tilespmem:s16+$0x2800];
	_ =	sdelay $0x4  }
0x22: {  	(v2sf) =	vpush v0, $0x0;
	_ =	sdelay $0xe  }
0x23: {  	s31 =	spop (v2sf)  }
0x24: {  	p1 =	seq.s32 s31, $0x0  }
0x25: {  	s16 =	simm.s32 @!p1 $0x7D;
	s17 =	simm.s32 @!p1 $0x2880;
	s18 =	simm.s32 @!p1 $0x1  }
0x26: {  	[spmem:s2] =	stream.indirect.scatter.add.f32 @!p1 [tilespmem:s17], [sflag:$0x1], $0x80, s3, s16, $0xb8;
	[tilespmem:$0x1A880] =	vst v63  }
0x27: {  	_ =	swait.ge @!p1 [sflag:s18], $0x3E80  }
0x28: {  	s16 =	simm.s32 $0x4;
	s17 =	simm.s32 $0x0;
	[sflag:s18] =	ssyncset.done @!p1 $0x0  }
.LBB2_2:
0x29: {  	s19 =	sshra.s32 s16, $0x2;
	[sflag:s18] =	ssyncadd.s32 @!p1 $0xFFFFC180  }
0x2a: {  	s16 =	sadd.s32 $0x4, s16;
	v0 =	vld [tilespmem:s19+$0x2800]  }
0x2b: {  	p0 =	sne.s32 s16, $0x140;
	_ =	sdelay $0x3  }
0x2c: {  	(v2sf) =	vpush v0, $0x0;
	_ =	sdelay $0xe  }
0x2d: {  	s18 =	spop (v2sf)  }
.Ltmp0:
0x2e: {  	s17 =	sadd.s32 $0x80, s17;
	p1 =	seq.s32 s18, $0x0;
	(pc) =	sbr.rel @p0 .LBB2_2-.Ltmp0, $4  }
0x2f: {  	s19 =	simm.s32 @!p1 $0x7D;
	s20 =	simm.s32 @!p1 $0x2880;
	s18 =	simm.s32 @!p1 $0x1  }
0x30: {  	[spmem:s2] =	stream.indirect.scatter.add.f32 @!p1 [tilespmem:s20], [sflag:$0x1], $0x80, s17, s19, $0xb8;
	[tilespmem:$0x1A880] =	vst v63  }
0x31: {  	_ =	swait.ge @!p1 [sflag:s18], $0x3E80  }
0x32: {  	[sflag:s18] =	ssyncset.done @!p1 $0x0  }
0x33: {  	s15 =	sadd.s32 $0x1, s15  }
0x34: {  	[sflag:s18] =	ssyncadd.s32 @!p1 $0xFFFFC180;
	p0 =	sne.s32 s15, s10  }
.Ltmp1:
0x35: {  	[bflag:$0x0] =	sbarrier.arrive $0xFFFF;
	(pc) =	sbr.rel @p0 .LBB2_1-.Ltmp1, $4  }
0x36: {  	[hbm:s9], [sflag:s6] =	dma.local [spmem:s11], $0x2800  }
0x37: {  	_ =	swait.ge [sflag:s12], $0x2800  }
0x38: {  	[sflag:s12] =	ssyncset.done $0x0  }
0x39: {  	[sflag:s12] =	ssyncadd.s32 $0xFFFFD800  }
0x3a: {  	_ =	sfence.sel $0x180000  }
0x3b: {  	[bflag:$0x0] =	sbarrier.arrive $0xFFFF  }
0x3c: {  	p0 =	sne.s32 s0, $0x0;
	_ =	strace $0x9000004A  }
0x3d: {  	s0 =	sadd.s32 @!p0 $0x100000, s1;
	[bflag:$0x2] =	sbarrier.arrive $0xFFFF  }
0x3e: {  	[sflag:s0] =	ssyncadd.tile.s32 @!p0 $0x1;
	_ =	shalt  }
.Lfunc_end2:
_tile_overlayer_lowered:
.L_overlay_start_2:
0x3f: {  	(tag) =	ssettag $0x2  }
0x40: {  	s0 =	rddreg [dreg:$0x0];
	s2 =	stileid.u32  }
0x41: {  	s1 =	rddreg [dreg:$0x1];
	p0 =	sne.s32 s2, $0x0  }
0x42: {  	s3 =	rddreg [dreg:$0x2];
	[bflag:$0x3] =	sbarrier.arrive $0xFFFF;
	s2 =	simm.s32 @!p0 $0x1C01  }
0x43: {  	[timem:s3], [sflag:s2] =	dma.local @!p0 [hbm:s0], s1  }
0x44: {  	s0 =	simm.s32 @!p0 $0x1  }
0x45: {  	_ =	swait.ge @!p0 [sflag:s0], s1  }
0x46: {  	s1 =	ssub.s32 @!p0 $0x0, s1;
	[sflag:s0] =	ssyncset.done @!p0 $0x0  }
0x47: {  	[sflag:s0] =	ssyncadd.s32 @!p0 s1  }
0x48: {  	[bflag:$0x3] =	sbarrier.arrive $0xFFFF  }
0x49: {  	_ =	shalt  }

</sc_bundles>
